<compile_context>
chip_gen: v7x
topology: tpu7x:2x2x1
jax: 0.10.2.dev20260603
libtpu: 0.0.44.dev20260713+nightly
codegen_flags: <defaults>
</compile_context>

<pallas_src>
import functools

import jax
import jax.numpy as jnp
from jax import lax
from jax.experimental import pallas as pl
from jax.experimental.pallas import tpu as pltpu
from jax.experimental.pallas import tpu_sc as plsc

_L = 16
_NUM_FACTORS = 32

_MESH = dict(core_axis_name="c", subcore_axis_name="s")
_PARAMS = dict(needs_layout_passes=False, use_tc_tiling_on_sc=False)


def _build_u(batch, num_rows, num_workers, nc):
    b_per_w = batch // num_workers
    n_groups = b_per_w // _L

    @functools.partial(
        pl.kernel,
        out_type=[
            jax.ShapeDtypeStruct((batch, _NUM_FACTORS), jnp.float32),
            jax.ShapeDtypeStruct((batch,), jnp.float32),
        ],
        mesh=plsc.VectorSubcoreMesh(**_MESH),
        compiler_params=pltpu.CompilerParams(**_PARAMS),
        scratch_types=[
            pltpu.VMEM((b_per_w,), jnp.int32),
            pltpu.VMEM((b_per_w, _NUM_FACTORS), jnp.float32),
            pltpu.VMEM((b_per_w,), jnp.float32),
            pltpu.VMEM((_L,), jnp.float32),
            pltpu.SemaphoreType.DMA,
            pltpu.SemaphoreType.DMA,
        ],
    )
    def u_kernel(uidx_hbm, uf_hbm, ub_hbm, g_hbm, rows_out, bias_out,
                 uidx_v, urow_v, ub_v, g_v, sem_u, sem_ub):
        wid = lax.axis_index("s") * nc + lax.axis_index("c")
        base = wid * b_per_w

        pltpu.sync_copy(uidx_hbm.at[pl.ds(base, b_per_w)], uidx_v)
        pltpu.sync_copy(g_hbm, g_v)
        cp_u = pltpu.async_copy(uf_hbm.at[uidx_v], urow_v, sem_u)
        cp_ub = pltpu.async_copy(ub_hbm.at[uidx_v], ub_v, sem_ub)
        cp_ub.wait()

        gvec = g_v[...]

        def group_body(g, _):
            off = pl.multiple_of(g * _L, _L)
            ub_v[pl.ds(off, _L)] = ub_v[pl.ds(off, _L)] + gvec
            return _

        lax.fori_loop(0, n_groups, group_body, None)
        pltpu.sync_copy(ub_v, bias_out.at[pl.ds(base, b_per_w)])
        cp_u.wait()
        pltpu.sync_copy(urow_v, rows_out.at[pl.ds(base, b_per_w), :])

    return u_kernel


def _build_p(batch, num_workers, nc):
    b_per_w = batch // num_workers
    n_groups = b_per_w // _L

    @functools.partial(
        pl.kernel,
        out_type=jax.ShapeDtypeStruct((batch,), jnp.float32),
        mesh=plsc.VectorSubcoreMesh(**_MESH),
        compiler_params=pltpu.CompilerParams(**_PARAMS),
        scratch_types=[
            pltpu.VMEM((b_per_w,), jnp.int32),
            pltpu.VMEM((b_per_w, _NUM_FACTORS), jnp.float32),
            pltpu.VMEM((b_per_w, _NUM_FACTORS), jnp.float32),
            pltpu.VMEM((b_per_w,), jnp.float32),
            pltpu.VMEM((b_per_w,), jnp.float32),
            pltpu.VMEM((b_per_w,), jnp.float32),
            pltpu.SemaphoreType.DMA,
            pltpu.SemaphoreType.DMA,
        ],
    )
    def p_kernel(pidx_hbm, pf_hbm, pb_hbm, urows_hbm, ubias_hbm, out_hbm,
                 pidx_v, urow_v, prow_v, pb_v, ub_v, out_v, sem_p, sem_pb):
        wid = lax.axis_index("s") * nc + lax.axis_index("c")
        base = wid * b_per_w

        pltpu.sync_copy(pidx_hbm.at[pl.ds(base, b_per_w)], pidx_v)
        cp_p = pltpu.async_copy(pf_hbm.at[pidx_v], prow_v, sem_p)
        cp_pb = pltpu.async_copy(pb_hbm.at[pidx_v], pb_v, sem_pb)
        pltpu.sync_copy(urows_hbm.at[pl.ds(base, b_per_w), :], urow_v)
        pltpu.sync_copy(ubias_hbm.at[pl.ds(base, b_per_w)], ub_v)
        cp_p.wait()
        cp_pb.wait()

        lanes = lax.iota(jnp.int32, _L)

        def group_body(g, _):
            off = pl.multiple_of(g * _L, _L)
            rows = off + lanes
            acc = jnp.zeros((_L,), jnp.float32)
            for d in range(_NUM_FACTORS):
                cols = jnp.full((_L,), d, jnp.int32)
                u = plsc.load_gather(urow_v, [rows, cols])
                p = plsc.load_gather(prow_v, [rows, cols])
                acc = acc + u * p
            out_v[pl.ds(off, _L)] = acc + ub_v[pl.ds(off, _L)] + pb_v[pl.ds(off, _L)]
            return _

        lax.fori_loop(0, n_groups, group_body, None)
        pltpu.sync_copy(out_v, out_hbm.at[pl.ds(base, b_per_w)])

    return p_kernel


def kernel(user_indices, post_indices, user_factors, post_factors,
           user_intercepts, post_intercepts, global_intercept):
    info = plsc.get_sparse_core_info()
    nc, ns = info.num_cores, info.num_subcores
    batch = user_indices.shape[0]
    num_rows = user_factors.shape[0]
    u_call = _build_u(batch, num_rows, nc * ns, nc)
    p_call = _build_p(batch, nc * ns, nc)
    urows, ubias = u_call(
        user_indices.astype(jnp.int32),
        user_factors,
        user_intercepts.reshape(-1),
        jnp.broadcast_to(global_intercept.astype(jnp.float32), (_L,)),
    )
    return p_call(
        post_indices.astype(jnp.int32),
        post_factors,
        post_intercepts.reshape(-1),
        urows,
        ubias,
    )

# --- scband reference (transcript-rebuilt; emitter-appended) ---
"""Pipeline reference for scband-biased-matrix-factorization-47553877901524 (READ-ONLY COPY).

The authoritative reference and input builder live on the scoring server;
editing this copy changes nothing except your own understanding.
"""

import jax, jax.numpy as jnp
import numpy as np

NUM_USERS = 1000000
NUM_POSTS = 1000000
NUM_FACTORS = 32
BATCH = 16384


def setup_inputs(seed: int = 0) -> dict:
    key = jax.random.key(seed)
    k1, k2, k3, k4 = jax.random.split(key, 4)
    user_indices = jax.random.randint(k1, (BATCH,), 0, NUM_USERS, dtype=jnp.int64 if jax.config.jax_enable_x64 else jnp.int32)
    post_indices = jax.random.randint(k2, (BATCH,), 0, NUM_POSTS, dtype=jnp.int64 if jax.config.jax_enable_x64 else jnp.int32)
    user_factors = jax.random.normal(k3, (NUM_USERS, NUM_FACTORS), dtype=jnp.float32) * 0.1
    post_factors = jax.random.normal(k4, (NUM_POSTS, NUM_FACTORS), dtype=jnp.float32) * 0.1
    user_intercepts = jnp.zeros((NUM_USERS, 1), dtype=jnp.float32)
    post_intercepts = jnp.zeros((NUM_POSTS, 1), dtype=jnp.float32)
    global_intercept = jnp.zeros((1,), dtype=jnp.float32)
    return {
        "user_indices": user_indices,
        "post_indices": post_indices,
        "user_factors": user_factors,
        "post_factors": post_factors,
        "user_intercepts": user_intercepts,
        "post_intercepts": post_intercepts,
        "global_intercept": global_intercept,
    }


def reference(user_indices, post_indices, user_factors, post_factors, user_intercepts, post_intercepts, global_intercept):
    user_factor = jnp.take(user_factors, user_indices, axis=0)
    post_factor = jnp.take(post_factors, post_indices, axis=0)
    user_bias = jnp.take(user_intercepts, user_indices, axis=0).squeeze(-1)
    post_bias = jnp.take(post_intercepts, post_indices, axis=0).squeeze(-1)
    dot = (user_factor * post_factor).sum(axis=1)
    return global_intercept + user_bias + post_bias + dot

if __name__ == "__main__":
    import jax
    _d = setup_inputs()
    print(jax.jit(kernel)(*tuple(_d.values())))

</pallas_src>

<mosaic_0001>
#map = affine_map<(d0, d1) -> (0)>
#map1 = affine_map<(d0, d1) -> (0, 0)>
module attributes {stable_mosaic.version = 14 : i64} {
  func.func @u_kernel(%arg0: i32, %arg1: i32, %arg2: memref<16384xi32, #tpu.memory_space<hbm>>, %arg3: memref<1000000x32xf32, #tpu.memory_space<hbm>>, %arg4: memref<1000000xf32, #tpu.memory_space<hbm>>, %arg5: memref<16xf32, #tpu.memory_space<hbm>>, %arg6: memref<16384x32xf32, #tpu.memory_space<hbm>>, %arg7: memref<16384xf32, #tpu.memory_space<hbm>>, %arg8: memref<512xi32, #tpu.memory_space<vmem>>, %arg9: memref<512x32xf32, #tpu.memory_space<vmem>>, %arg10: memref<512xf32, #tpu.memory_space<vmem>>, %arg11: memref<16xf32, #tpu.memory_space<vmem>>, %arg12: memref<!tpu.dma_semaphore, #tpu.memory_space<semaphore_mem>>, %arg13: memref<!tpu.dma_semaphore, #tpu.memory_space<semaphore_mem>>) attributes {dimension_semantics = [#tpu.dimension_semantics<core_parallel>, #tpu.dimension_semantics<subcore_parallel>], iteration_bounds = array<i64: 2, 16>, scalar_prefetch = 0 : i64, scratch_operands = 6 : i64, tpu.core_type = #tpu.core_type<sc_vector_subcore>, window_params = [{transform_indices = #map}, {transform_indices = #map1}, {transform_indices = #map}, {transform_indices = #map}, {transform_indices = #map1}, {transform_indices = #map}]} {
    %mul3A = arith.constant 2 : i32
    %mul3A_0 = arith.muli %arg1, %mul3A : i32
    %add3A = arith.addi %mul3A_0, %arg0 : i32
    %mul3A_1 = arith.constant 512 : i32
    %mul3A_2 = arith.muli %add3A, %mul3A_1 : i32
    "tpu.region"() ({
      %run_scoped3A = tpu.sem_alloc : memref<!tpu.dma_semaphore, #tpu.memory_space<semaphore_mem>>
      %dma_start3A_16 = tpu.memref_slice %arg2[%mul3A_2] : memref<16384xi32, #tpu.memory_space<hbm>> -> memref<512xi32, #tpu.memory_space<hbm>>
      %dma_start3A_17 = tpu.memref_slice %arg2[%mul3A_2] : memref<16384xi32, #tpu.memory_space<hbm>> -> memref<512xi32, #tpu.memory_space<hbm>>
      tpu.enqueue_dma source(%dma_start3A_17 : memref<512xi32, #tpu.memory_space<hbm>>) target(%arg8 : memref<512xi32, #tpu.memory_space<vmem>>) target_semaphore(%run_scoped3A : memref<!tpu.dma_semaphore, #tpu.memory_space<semaphore_mem>>)
      %dma_wait3A_18 = tpu.memref_slice %arg2[%mul3A_2] : memref<16384xi32, #tpu.memory_space<hbm>> -> memref<512xi32, #tpu.memory_space<hbm>>
      %dma_wait3A_19 = tpu.memref_slice %arg2[%mul3A_2] : memref<16384xi32, #tpu.memory_space<hbm>> -> memref<512xi32, #tpu.memory_space<hbm>>
      tpu.wait_dma2 semaphore(%run_scoped3A : memref<!tpu.dma_semaphore, #tpu.memory_space<semaphore_mem>>) src(%dma_wait3A_19 : memref<512xi32, #tpu.memory_space<hbm>>) dst(%arg8 : memref<512xi32, #tpu.memory_space<vmem>>)
      tpu.yield
    }) : () -> ()
    "tpu.region"() ({
      %run_scoped3A = tpu.sem_alloc : memref<!tpu.dma_semaphore, #tpu.memory_space<semaphore_mem>>
      tpu.enqueue_dma source(%arg5 : memref<16xf32, #tpu.memory_space<hbm>>) target(%arg11 : memref<16xf32, #tpu.memory_space<vmem>>) target_semaphore(%run_scoped3A : memref<!tpu.dma_semaphore, #tpu.memory_space<semaphore_mem>>)
      tpu.wait_dma2 semaphore(%run_scoped3A : memref<!tpu.dma_semaphore, #tpu.memory_space<semaphore_mem>>) src(%arg5 : memref<16xf32, #tpu.memory_space<hbm>>) dst(%arg11 : memref<16xf32, #tpu.memory_space<vmem>>)
      tpu.yield
    }) : () -> ()
    %dma_start3A = arith.constant 0 : i32
    %dma_start3A_3 = arith.constant 0 : i32
    %dma_start3A_4 = tpu.memref_slice %arg3[%dma_start3A, %dma_start3A_3] : memref<1000000x32xf32, #tpu.memory_space<hbm>> -> memref<1000000x32xf32, #tpu.memory_space<hbm>>
    tpu.enqueue_indirect_dma source(%dma_start3A_4 : memref<1000000x32xf32, #tpu.memory_space<hbm>>) target(%arg9 : memref<512x32xf32, #tpu.memory_space<vmem>>) offsets(%arg8 : memref<512xi32, #tpu.memory_space<vmem>>) semaphore(%arg12 : memref<!tpu.dma_semaphore, #tpu.memory_space<semaphore_mem>>)
    %dma_start3A_5 = arith.constant 0 : i32
    %dma_start3A_6 = tpu.memref_slice %arg4[%dma_start3A_5] : memref<1000000xf32, #tpu.memory_space<hbm>> -> memref<1000000xf32, #tpu.memory_space<hbm>>
    tpu.enqueue_indirect_dma source(%dma_start3A_6 : memref<1000000xf32, #tpu.memory_space<hbm>>) target(%arg10 : memref<512xf32, #tpu.memory_space<vmem>>) offsets(%arg8 : memref<512xi32, #tpu.memory_space<vmem>>) semaphore(%arg13 : memref<!tpu.dma_semaphore, #tpu.memory_space<semaphore_mem>>)
    %dma_wait3A = arith.constant 0 : i32
    %dma_wait3A_7 = tpu.memref_slice %arg4[%dma_wait3A] : memref<1000000xf32, #tpu.memory_space<hbm>> -> memref<1000000xf32, #tpu.memory_space<hbm>>
    tpu.wait_indirect_dma semaphore(%arg13 : memref<!tpu.dma_semaphore, #tpu.memory_space<semaphore_mem>>) src(%dma_wait3A_7 : memref<1000000xf32, #tpu.memory_space<hbm>>) dst(%arg10 : memref<512xf32, #tpu.memory_space<vmem>>)
    %get3A = arith.constant 0 : index
    %get3A_8 = tpu.vector_load %arg11[%get3A] {strides = array<i32>} : memref<16xf32, #tpu.memory_space<vmem>>, vector<16xf32>,
    %scan3A = arith.constant 0 : i32
    %scan3A_9 = arith.constant 32 : i32
    %scan3A_10 = arith.addi %scan3A, %scan3A_9 : i32
    %scan3A_11 = arith.constant 1 : i32
    scf.for %scan3A_16 = %scan3A to %scan3A_10 step %scan3A_11  : i32 {
      %mul3A_17 = arith.constant 16 : i32
      %mul3A_18 = arith.muli %scan3A_16, %mul3A_17 : i32
      %multiple_of3A = tpu.assume_multiple %mul3A_18, 16 : i32
      %get3A_19 = arith.index_cast %multiple_of3A : i32 to index
      %get3A_20 = tpu.vector_load %arg10[%get3A_19] {strides = array<i32>} : memref<512xf32, #tpu.memory_space<vmem>>, vector<16xf32>,
      %add3A_21 = arith.addf %get3A_20, %get3A_8 : vector<16xf32>
      %swap3A = arith.index_cast %multiple_of3A : i32 to index
      %swap3A_22 = tpu.vector_load %arg10[%swap3A] {strides = array<i32>} : memref<512xf32, #tpu.memory_space<vmem>>, vector<16xf32>,
      tpu.vector_store %arg10[%swap3A], %add3A_21 {strides = array<i32>} : memref<512xf32, #tpu.memory_space<vmem>>, vector<16xf32>,
    }
    %scan3A_12 = arith.constant 32 : i32
    "tpu.region"() ({
      %run_scoped3A = tpu.sem_alloc : memref<!tpu.dma_semaphore, #tpu.memory_space<semaphore_mem>>
      %dma_start3A_16 = tpu.memref_slice %arg7[%mul3A_2] : memref<16384xf32, #tpu.memory_space<hbm>> -> memref<512xf32, #tpu.memory_space<hbm>>
      %dma_start3A_17 = tpu.memref_slice %arg7[%mul3A_2] : memref<16384xf32, #tpu.memory_space<hbm>> -> memref<512xf32, #tpu.memory_space<hbm>>
      tpu.enqueue_dma source(%arg10 : memref<512xf32, #tpu.memory_space<vmem>>) target(%dma_start3A_17 : memref<512xf32, #tpu.memory_space<hbm>>) target_semaphore(%run_scoped3A : memref<!tpu.dma_semaphore, #tpu.memory_space<semaphore_mem>>)
      %dma_wait3A_18 = tpu.memref_slice %arg7[%mul3A_2] : memref<16384xf32, #tpu.memory_space<hbm>> -> memref<512xf32, #tpu.memory_space<hbm>>
      %dma_wait3A_19 = tpu.memref_slice %arg7[%mul3A_2] : memref<16384xf32, #tpu.memory_space<hbm>> -> memref<512xf32, #tpu.memory_space<hbm>>
      tpu.wait_dma2 semaphore(%run_scoped3A : memref<!tpu.dma_semaphore, #tpu.memory_space<semaphore_mem>>) src(%arg10 : memref<512xf32, #tpu.memory_space<vmem>>) dst(%dma_wait3A_19 : memref<512xf32, #tpu.memory_space<hbm>>)
      tpu.yield
    }) : () -> ()
    %dma_wait3A_13 = arith.constant 0 : i32
    %dma_wait3A_14 = arith.constant 0 : i32
    %dma_wait3A_15 = tpu.memref_slice %arg3[%dma_wait3A_13, %dma_wait3A_14] : memref<1000000x32xf32, #tpu.memory_space<hbm>> -> memref<1000000x32xf32, #tpu.memory_space<hbm>>
    tpu.wait_indirect_dma semaphore(%arg12 : memref<!tpu.dma_semaphore, #tpu.memory_space<semaphore_mem>>) src(%dma_wait3A_15 : memref<1000000x32xf32, #tpu.memory_space<hbm>>) dst(%arg9 : memref<512x32xf32, #tpu.memory_space<vmem>>)
    "tpu.region"() ({
      %run_scoped3A = tpu.sem_alloc : memref<!tpu.dma_semaphore, #tpu.memory_space<semaphore_mem>>
      %dma_start3A_16 = arith.constant 0 : i32
      %dma_start3A_17 = tpu.memref_slice %arg6[%mul3A_2, %dma_start3A_16] : memref<16384x32xf32, #tpu.memory_space<hbm>> -> memref<512x32xf32, #tpu.memory_space<hbm>>
      %dma_start3A_18 = arith.constant 0 : i32
      %dma_start3A_19 = tpu.memref_slice %arg6[%mul3A_2, %dma_start3A_18] : memref<16384x32xf32, #tpu.memory_space<hbm>> -> memref<512x32xf32, #tpu.memory_space<hbm>>
      tpu.enqueue_dma source(%arg9 : memref<512x32xf32, #tpu.memory_space<vmem>>) target(%dma_start3A_19 : memref<512x32xf32, #tpu.memory_space<hbm>>) target_semaphore(%run_scoped3A : memref<!tpu.dma_semaphore, #tpu.memory_space<semaphore_mem>>)
      %dma_wait3A_20 = arith.constant 0 : i32
      %dma_wait3A_21 = tpu.memref_slice %arg6[%mul3A_2, %dma_wait3A_20] : memref<16384x32xf32, #tpu.memory_space<hbm>> -> memref<512x32xf32, #tpu.memory_space<hbm>>
      %dma_wait3A_22 = arith.constant 0 : i32
      %dma_wait3A_23 = tpu.memref_slice %arg6[%mul3A_2, %dma_wait3A_22] : memref<16384x32xf32, #tpu.memory_space<hbm>> -> memref<512x32xf32, #tpu.memory_space<hbm>>
      tpu.wait_dma2 semaphore(%run_scoped3A : memref<!tpu.dma_semaphore, #tpu.memory_space<semaphore_mem>>) src(%arg9 : memref<512x32xf32, #tpu.memory_space<vmem>>) dst(%dma_wait3A_23 : memref<512x32xf32, #tpu.memory_space<hbm>>)
      tpu.yield
    }) : () -> ()
    return
  }
}

#map = affine_map<(d0, d1) -> (0)>
#map1 = affine_map<(d0, d1) -> (0, 0)>
module attributes {stable_mosaic.version = 14 : i64} {
  func.func @p_kernel(%arg0: i32, %arg1: i32, %arg2: memref<16384xi32, #tpu.memory_space<hbm>>, %arg3: memref<1000000x32xf32, #tpu.memory_space<hbm>>, %arg4: memref<1000000xf32, #tpu.memory_space<hbm>>, %arg5: memref<16384x32xf32, #tpu.memory_space<hbm>>, %arg6: memref<16384xf32, #tpu.memory_space<hbm>>, %arg7: memref<16384xf32, #tpu.memory_space<hbm>>, %arg8: memref<512xi32, #tpu.memory_space<vmem>>, %arg9: memref<512x32xf32, #tpu.memory_space<vmem>>, %arg10: memref<512x32xf32, #tpu.memory_space<vmem>>, %arg11: memref<512xf32, #tpu.memory_space<vmem>>, %arg12: memref<512xf32, #tpu.memory_space<vmem>>, %arg13: memref<512xf32, #tpu.memory_space<vmem>>, %arg14: memref<!tpu.dma_semaphore, #tpu.memory_space<semaphore_mem>>, %arg15: memref<!tpu.dma_semaphore, #tpu.memory_space<semaphore_mem>>) attributes {dimension_semantics = [#tpu.dimension_semantics<core_parallel>, #tpu.dimension_semantics<subcore_parallel>], iteration_bounds = array<i64: 2, 16>, scalar_prefetch = 0 : i64, scratch_operands = 8 : i64, tpu.core_type = #tpu.core_type<sc_vector_subcore>, window_params = [{transform_indices = #map}, {transform_indices = #map1}, {transform_indices = #map}, {transform_indices = #map1}, {transform_indices = #map}, {transform_indices = #map}]} {
    %mul3A = arith.constant 2 : i32
    %mul3A_0 = arith.muli %arg1, %mul3A : i32
    %add3A = arith.addi %mul3A_0, %arg0 : i32
    %mul3A_1 = arith.constant 512 : i32
    %mul3A_2 = arith.muli %add3A, %mul3A_1 : i32
    "tpu.region"() ({
      %run_scoped3A = tpu.sem_alloc : memref<!tpu.dma_semaphore, #tpu.memory_space<semaphore_mem>>
      %dma_start3A_15 = tpu.memref_slice %arg2[%mul3A_2] : memref<16384xi32, #tpu.memory_space<hbm>> -> memref<512xi32, #tpu.memory_space<hbm>>
      %dma_start3A_16 = tpu.memref_slice %arg2[%mul3A_2] : memref<16384xi32, #tpu.memory_space<hbm>> -> memref<512xi32, #tpu.memory_space<hbm>>
      tpu.enqueue_dma source(%dma_start3A_16 : memref<512xi32, #tpu.memory_space<hbm>>) target(%arg8 : memref<512xi32, #tpu.memory_space<vmem>>) target_semaphore(%run_scoped3A : memref<!tpu.dma_semaphore, #tpu.memory_space<semaphore_mem>>)
      %dma_wait3A_17 = tpu.memref_slice %arg2[%mul3A_2] : memref<16384xi32, #tpu.memory_space<hbm>> -> memref<512xi32, #tpu.memory_space<hbm>>
      %dma_wait3A_18 = tpu.memref_slice %arg2[%mul3A_2] : memref<16384xi32, #tpu.memory_space<hbm>> -> memref<512xi32, #tpu.memory_space<hbm>>
      tpu.wait_dma2 semaphore(%run_scoped3A : memref<!tpu.dma_semaphore, #tpu.memory_space<semaphore_mem>>) src(%dma_wait3A_18 : memref<512xi32, #tpu.memory_space<hbm>>) dst(%arg8 : memref<512xi32, #tpu.memory_space<vmem>>)
      tpu.yield
    }) : () -> ()
    %dma_start3A = arith.constant 0 : i32
    %dma_start3A_3 = arith.constant 0 : i32
    %dma_start3A_4 = tpu.memref_slice %arg3[%dma_start3A, %dma_start3A_3] : memref<1000000x32xf32, #tpu.memory_space<hbm>> -> memref<1000000x32xf32, #tpu.memory_space<hbm>>
    tpu.enqueue_indirect_dma source(%dma_start3A_4 : memref<1000000x32xf32, #tpu.memory_space<hbm>>) target(%arg10 : memref<512x32xf32, #tpu.memory_space<vmem>>) offsets(%arg8 : memref<512xi32, #tpu.memory_space<vmem>>) semaphore(%arg14 : memref<!tpu.dma_semaphore, #tpu.memory_space<semaphore_mem>>)
    %dma_start3A_5 = arith.constant 0 : i32
    %dma_start3A_6 = tpu.memref_slice %arg4[%dma_start3A_5] : memref<1000000xf32, #tpu.memory_space<hbm>> -> memref<1000000xf32, #tpu.memory_space<hbm>>
    tpu.enqueue_indirect_dma source(%dma_start3A_6 : memref<1000000xf32, #tpu.memory_space<hbm>>) target(%arg11 : memref<512xf32, #tpu.memory_space<vmem>>) offsets(%arg8 : memref<512xi32, #tpu.memory_space<vmem>>) semaphore(%arg15 : memref<!tpu.dma_semaphore, #tpu.memory_space<semaphore_mem>>)
    "tpu.region"() ({
      %run_scoped3A = tpu.sem_alloc : memref<!tpu.dma_semaphore, #tpu.memory_space<semaphore_mem>>
      %dma_start3A_15 = arith.constant 0 : i32
      %dma_start3A_16 = tpu.memref_slice %arg5[%mul3A_2, %dma_start3A_15] : memref<16384x32xf32, #tpu.memory_space<hbm>> -> memref<512x32xf32, #tpu.memory_space<hbm>>
      %dma_start3A_17 = arith.constant 0 : i32
      %dma_start3A_18 = tpu.memref_slice %arg5[%mul3A_2, %dma_start3A_17] : memref<16384x32xf32, #tpu.memory_space<hbm>> -> memref<512x32xf32, #tpu.memory_space<hbm>>
      tpu.enqueue_dma source(%dma_start3A_18 : memref<512x32xf32, #tpu.memory_space<hbm>>) target(%arg9 : memref<512x32xf32, #tpu.memory_space<vmem>>) target_semaphore(%run_scoped3A : memref<!tpu.dma_semaphore, #tpu.memory_space<semaphore_mem>>)
      %dma_wait3A_19 = arith.constant 0 : i32
      %dma_wait3A_20 = tpu.memref_slice %arg5[%mul3A_2, %dma_wait3A_19] : memref<16384x32xf32, #tpu.memory_space<hbm>> -> memref<512x32xf32, #tpu.memory_space<hbm>>
      %dma_wait3A_21 = arith.constant 0 : i32
      %dma_wait3A_22 = tpu.memref_slice %arg5[%mul3A_2, %dma_wait3A_21] : memref<16384x32xf32, #tpu.memory_space<hbm>> -> memref<512x32xf32, #tpu.memory_space<hbm>>
      tpu.wait_dma2 semaphore(%run_scoped3A : memref<!tpu.dma_semaphore, #tpu.memory_space<semaphore_mem>>) src(%dma_wait3A_22 : memref<512x32xf32, #tpu.memory_space<hbm>>) dst(%arg9 : memref<512x32xf32, #tpu.memory_space<vmem>>)
      tpu.yield
    }) : () -> ()
    "tpu.region"() ({
      %run_scoped3A = tpu.sem_alloc : memref<!tpu.dma_semaphore, #tpu.memory_space<semaphore_mem>>
      %dma_start3A_15 = tpu.memref_slice %arg6[%mul3A_2] : memref<16384xf32, #tpu.memory_space<hbm>> -> memref<512xf32, #tpu.memory_space<hbm>>
      %dma_start3A_16 = tpu.memref_slice %arg6[%mul3A_2] : memref<16384xf32, #tpu.memory_space<hbm>> -> memref<512xf32, #tpu.memory_space<hbm>>
      tpu.enqueue_dma source(%dma_start3A_16 : memref<512xf32, #tpu.memory_space<hbm>>) target(%arg12 : memref<512xf32, #tpu.memory_space<vmem>>) target_semaphore(%run_scoped3A : memref<!tpu.dma_semaphore, #tpu.memory_space<semaphore_mem>>)
      %dma_wait3A_17 = tpu.memref_slice %arg6[%mul3A_2] : memref<16384xf32, #tpu.memory_space<hbm>> -> memref<512xf32, #tpu.memory_space<hbm>>
      %dma_wait3A_18 = tpu.memref_slice %arg6[%mul3A_2] : memref<16384xf32, #tpu.memory_space<hbm>> -> memref<512xf32, #tpu.memory_space<hbm>>
      tpu.wait_dma2 semaphore(%run_scoped3A : memref<!tpu.dma_semaphore, #tpu.memory_space<semaphore_mem>>) src(%dma_wait3A_18 : memref<512xf32, #tpu.memory_space<hbm>>) dst(%arg12 : memref<512xf32, #tpu.memory_space<vmem>>)
      tpu.yield
    }) : () -> ()
    %dma_wait3A = arith.constant 0 : i32
    %dma_wait3A_7 = arith.constant 0 : i32
    %dma_wait3A_8 = tpu.memref_slice %arg3[%dma_wait3A, %dma_wait3A_7] : memref<1000000x32xf32, #tpu.memory_space<hbm>> -> memref<1000000x32xf32, #tpu.memory_space<hbm>>
    tpu.wait_indirect_dma semaphore(%arg14 : memref<!tpu.dma_semaphore, #tpu.memory_space<semaphore_mem>>) src(%dma_wait3A_8 : memref<1000000x32xf32, #tpu.memory_space<hbm>>) dst(%arg10 : memref<512x32xf32, #tpu.memory_space<vmem>>)
    %dma_wait3A_9 = arith.constant 0 : i32
    %dma_wait3A_10 = tpu.memref_slice %arg4[%dma_wait3A_9] : memref<1000000xf32, #tpu.memory_space<hbm>> -> memref<1000000xf32, #tpu.memory_space<hbm>>
    tpu.wait_indirect_dma semaphore(%arg15 : memref<!tpu.dma_semaphore, #tpu.memory_space<semaphore_mem>>) src(%dma_wait3A_10 : memref<1000000xf32, #tpu.memory_space<hbm>>) dst(%arg11 : memref<512xf32, #tpu.memory_space<vmem>>)
    %iota3A = tpu.iota {dimensions = array<i32: 0>} : vector<16xi32>
    %scan3A = arith.constant 0 : i32
    %scan3A_11 = arith.constant 32 : i32
    %scan3A_12 = arith.addi %scan3A, %scan3A_11 : i32
    %scan3A_13 = arith.constant 1 : i32
    scf.for %scan3A_15 = %scan3A to %scan3A_12 step %scan3A_13  : i32 {
      %mul3A_16 = arith.constant 16 : i32
      %mul3A_17 = arith.muli %scan3A_15, %mul3A_16 : i32
      %multiple_of3A = tpu.assume_multiple %mul3A_17, 16 : i32
      %add3A_18 = vector.broadcast %multiple_of3A : i32 to vector<16xi32>
      %add3A_19 = arith.addi %add3A_18, %iota3A : vector<16xi32>
      %broadcast_in_dim3A = arith.constant 0.000000e+00 : f32
      %broadcast_in_dim3A_20 = vector.broadcast %broadcast_in_dim3A : f32 to vector<16xf32>
      %broadcast_in_dim3A_21 = arith.constant 0 : i32
      %broadcast_in_dim3A_22 = vector.broadcast %broadcast_in_dim3A_21 : i32 to vector<16xi32>
      %gather3A = tpu.vector_load_idx %arg9[%add3A_19, %broadcast_in_dim3A_22] : memref<512x32xf32, #tpu.memory_space<vmem>>[vector<16xi32>, vector<16xi32>], vector<16xf32>,
      %gather3A_23 = tpu.vector_load_idx %arg10[%add3A_19, %broadcast_in_dim3A_22] : memref<512x32xf32, #tpu.memory_space<vmem>>[vector<16xi32>, vector<16xi32>], vector<16xf32>,
      %mul3A_24 = arith.mulf %gather3A, %gather3A_23 : vector<16xf32>
      %add3A_25 = arith.addf %broadcast_in_dim3A_20, %mul3A_24 : vector<16xf32>
      %broadcast_in_dim3A_26 = arith.constant 1 : i32
      %broadcast_in_dim3A_27 = vector.broadcast %broadcast_in_dim3A_26 : i32 to vector<16xi32>
      %gather3A_28 = tpu.vector_load_idx %arg9[%add3A_19, %broadcast_in_dim3A_27] : memref<512x32xf32, #tpu.memory_space<vmem>>[vector<16xi32>, vector<16xi32>], vector<16xf32>,
      %gather3A_29 = tpu.vector_load_idx %arg10[%add3A_19, %broadcast_in_dim3A_27] : memref<512x32xf32, #tpu.memory_space<vmem>>[vector<16xi32>, vector<16xi32>], vector<16xf32>,
      %mul3A_30 = arith.mulf %gather3A_28, %gather3A_29 : vector<16xf32>
      %add3A_31 = arith.addf %add3A_25, %mul3A_30 : vector<16xf32>
      %broadcast_in_dim3A_32 = arith.constant 2 : i32
      %broadcast_in_dim3A_33 = vector.broadcast %broadcast_in_dim3A_32 : i32 to vector<16xi32>
      %gather3A_34 = tpu.vector_load_idx %arg9[%add3A_19, %broadcast_in_dim3A_33] : memref<512x32xf32, #tpu.memory_space<vmem>>[vector<16xi32>, vector<16xi32>], vector<16xf32>,
      %gather3A_35 = tpu.vector_load_idx %arg10[%add3A_19, %broadcast_in_dim3A_33] : memref<512x32xf32, #tpu.memory_space<vmem>>[vector<16xi32>, vector<16xi32>], vector<16xf32>,
      %mul3A_36 = arith.mulf %gather3A_34, %gather3A_35 : vector<16xf32>
      %add3A_37 = arith.addf %add3A_31, %mul3A_36 : vector<16xf32>
      %broadcast_in_dim3A_38 = arith.constant 3 : i32
      %broadcast_in_dim3A_39 = vector.broadcast %broadcast_in_dim3A_38 : i32 to vector<16xi32>
      %gather3A_40 = tpu.vector_load_idx %arg9[%add3A_19, %broadcast_in_dim3A_39] : memref<512x32xf32, #tpu.memory_space<vmem>>[vector<16xi32>, vector<16xi32>], vector<16xf32>,
      %gather3A_41 = tpu.vector_load_idx %arg10[%add3A_19, %broadcast_in_dim3A_39] : memref<512x32xf32, #tpu.memory_space<vmem>>[vector<16xi32>, vector<16xi32>], vector<16xf32>,
      %mul3A_42 = arith.mulf %gather3A_40, %gather3A_41 : vector<16xf32>
      %add3A_43 = arith.addf %add3A_37, %mul3A_42 : vector<16xf32>
      %broadcast_in_dim3A_44 = arith.constant 4 : i32
      %broadcast_in_dim3A_45 = vector.broadcast %broadcast_in_dim3A_44 : i32 to vector<16xi32>
      %gather3A_46 = tpu.vector_load_idx %arg9[%add3A_19, %broadcast_in_dim3A_45] : memref<512x32xf32, #tpu.memory_space<vmem>>[vector<16xi32>, vector<16xi32>], vector<16xf32>,
      %gather3A_47 = tpu.vector_load_idx %arg10[%add3A_19, %broadcast_in_dim3A_45] : memref<512x32xf32, #tpu.memory_space<vmem>>[vector<16xi32>, vector<16xi32>], vector<16xf32>,
      %mul3A_48 = arith.mulf %gather3A_46, %gather3A_47 : vector<16xf32>
      %add3A_49 = arith.addf %add3A_43, %mul3A_48 : vector<16xf32>
      %broadcast_in_dim3A_50 = arith.constant 5 : i32
      %broadcast_in_dim3A_51 = vector.broadcast %broadcast_in_dim3A_50 : i32 to vector<16xi32>
      %gather3A_52 = tpu.vector_load_idx %arg9[%add3A_19, %broadcast_in_dim3A_51] : memref<512x32xf32, #tpu.memory_space<vmem>>[vector<16xi32>, vector<16xi32>], vector<16xf32>,
      %gather3A_53 = tpu.vector_load_idx %arg10[%add3A_19, %broadcast_in_dim3A_51] : memref<512x32xf32, #tpu.memory_space<vmem>>[vector<16xi32>, vector<16xi32>], vector<16xf32>,
      %mul3A_54 = arith.mulf %gather3A_52, %gather3A_53 : vector<16xf32>
      %add3A_55 = arith.addf %add3A_49, %mul3A_54 : vector<16xf32>
      %broadcast_in_dim3A_56 = arith.constant 6 : i32
      %broadcast_in_dim3A_57 = vector.broadcast %broadcast_in_dim3A_56 : i32 to vector<16xi32>
      %gather3A_58 = tpu.vector_load_idx %arg9[%add3A_19, %broadcast_in_dim3A_57] : memref<512x32xf32, #tpu.memory_space<vmem>>[vector<16xi32>, vector<16xi32>], vector<16xf32>,
      %gather3A_59 = tpu.vector_load_idx %arg10[%add3A_19, %broadcast_in_dim3A_57] : memref<512x32xf32, #tpu.memory_space<vmem>>[vector<16xi32>, vector<16xi32>], vector<16xf32>,
      %mul3A_60 = arith.mulf %gather3A_58, %gather3A_59 : vector<16xf32>
      %add3A_61 = arith.addf %add3A_55, %mul3A_60 : vector<16xf32>
      %broadcast_in_dim3A_62 = arith.constant 7 : i32
      %broadcast_in_dim3A_63 = vector.broadcast %broadcast_in_dim3A_62 : i32 to vector<16xi32>
      %gather3A_64 = tpu.vector_load_idx %arg9[%add3A_19, %broadcast_in_dim3A_63] : memref<512x32xf32, #tpu.memory_space<vmem>>[vector<16xi32>, vector<16xi32>], vector<16xf32>,
      %gather3A_65 = tpu.vector_load_idx %arg10[%add3A_19, %broadcast_in_dim3A_63] : memref<512x32xf32, #tpu.memory_space<vmem>>[vector<16xi32>, vector<16xi32>], vector<16xf32>,
      %mul3A_66 = arith.mulf %gather3A_64, %gather3A_65 : vector<16xf32>
      %add3A_67 = arith.addf %add3A_61, %mul3A_66 : vector<16xf32>
      %broadcast_in_dim3A_68 = arith.constant 8 : i32
      %broadcast_in_dim3A_69 = vector.broadcast %broadcast_in_dim3A_68 : i32 to vector<16xi32>
      %gather3A_70 = tpu.vector_load_idx %arg9[%add3A_19, %broadcast_in_dim3A_69] : memref<512x32xf32, #tpu.memory_space<vmem>>[vector<16xi32>, vector<16xi32>], vector<16xf32>,
      %gather3A_71 = tpu.vector_load_idx %arg10[%add3A_19, %broadcast_in_dim3A_69] : memref<512x32xf32, #tpu.memory_space<vmem>>[vector<16xi32>, vector<16xi32>], vector<16xf32>,
      %mul3A_72 = arith.mulf %gather3A_70, %gather3A_71 : vector<16xf32>
      %add3A_73 = arith.addf %add3A_67, %mul3A_72 : vector<16xf32>
      %broadcast_in_dim3A_74 = arith.constant 9 : i32
      %broadcast_in_dim3A_75 = vector.broadcast %broadcast_in_dim3A_74 : i32 to vector<16xi32>
      %gather3A_76 = tpu.vector_load_idx %arg9[%add3A_19, %broadcast_in_dim3A_75] : memref<512x32xf32, #tpu.memory_space<vmem>>[vector<16xi32>, vector<16xi32>], vector<16xf32>,
      %gather3A_77 = tpu.vector_load_idx %arg10[%add3A_19, %broadcast_in_dim3A_75] : memref<512x32xf32, #tpu.memory_space<vmem>>[vector<16xi32>, vector<16xi32>], vector<16xf32>,
      %mul3A_78 = arith.mulf %gather3A_76, %gather3A_77 : vector<16xf32>
      %add3A_79 = arith.addf %add3A_73, %mul3A_78 : vector<16xf32>
      %broadcast_in_dim3A_80 = arith.constant 10 : i32
      %broadcast_in_dim3A_81 = vector.broadcast %broadcast_in_dim3A_80 : i32 to vector<16xi32>
      %gather3A_82 = tpu.vector_load_idx %arg9[%add3A_19, %broadcast_in_dim3A_81] : memref<512x32xf32, #tpu.memory_space<vmem>>[vector<16xi32>, vector<16xi32>], vector<16xf32>,
      %gather3A_83 = tpu.vector_load_idx %arg10[%add3A_19, %broadcast_in_dim3A_81] : memref<512x32xf32, #tpu.memory_space<vmem>>[vector<16xi32>, vector<16xi32>], vector<16xf32>,
      %mul3A_84 = arith.mulf %gather3A_82, %gather3A_83 : vector<16xf32>
      %add3A_85 = arith.addf %add3A_79, %mul3A_84 : vector<16xf32>
      %broadcast_in_dim3A_86 = arith.constant 11 : i32
      %broadcast_in_dim3A_87 = vector.broadcast %broadcast_in_dim3A_86 : i32 to vector<16xi32>
      %gather3A_88 = tpu.vector_load_idx %arg9[%add3A_19, %broadcast_in_dim3A_87] : memref<512x32xf32, #tpu.memory_space<vmem>>[vector<16xi32>, vector<16xi32>], vector<16xf32>,
      %gather3A_89 = tpu.vector_load_idx %arg10[%add3A_19, %broadcast_in_dim3A_87] : memref<512x32xf32, #tpu.memory_space<vmem>>[vector<16xi32>, vector<16xi32>], vector<16xf32>,
      %mul3A_90 = arith.mulf %gather3A_88, %gather3A_89 : vector<16xf32>
      %add3A_91 = arith.addf %add3A_85, %mul3A_90 : vector<16xf32>
      %broadcast_in_dim3A_92 = arith.constant 12 : i32
      %broadcast_in_dim3A_93 = vector.broadcast %broadcast_in_dim3A_92 : i32 to vector<16xi32>
      %gather3A_94 = tpu.vector_load_idx %arg9[%add3A_19, %broadcast_in_dim3A_93] : memref<512x32xf32, #tpu.memory_space<vmem>>[vector<16xi32>, vector<16xi32>], vector<16xf32>,
      %gather3A_95 = tpu.vector_load_idx %arg10[%add3A_19, %broadcast_in_dim3A_93] : memref<512x32xf32, #tpu.memory_space<vmem>>[vector<16xi32>, vector<16xi32>], vector<16xf32>,
      %mul3A_96 = arith.mulf %gather3A_94, %gather3A_95 : vector<16xf32>
      %add3A_97 = arith.addf %add3A_91, %mul3A_96 : vector<16xf32>
      %broadcast_in_dim3A_98 = arith.constant 13 : i32
      %broadcast_in_dim3A_99 = vector.broadcast %broadcast_in_dim3A_98 : i32 to vector<16xi32>
      %gather3A_100 = tpu.vector_load_idx %arg9[%add3A_19, %broadcast_in_dim3A_99] : memref<512x32xf32, #tpu.memory_space<vmem>>[vector<16xi32>, vector<16xi32>], vector<16xf32>,
      %gather3A_101 = tpu.vector_load_idx %arg10[%add3A_19, %broadcast_in_dim3A_99] : memref<512x32xf32, #tpu.memory_space<vmem>>[vector<16xi32>, vector<16xi32>], vector<16xf32>,
      %mul3A_102 = arith.mulf %gather3A_100, %gather3A_101 : vector<16xf32>
      %add3A_103 = arith.addf %add3A_97, %mul3A_102 : vector<16xf32>
      %broadcast_in_dim3A_104 = arith.constant 14 : i32
      %broadcast_in_dim3A_105 = vector.broadcast %broadcast_in_dim3A_104 : i32 to vector<16xi32>
      %gather3A_106 = tpu.vector_load_idx %arg9[%add3A_19, %broadcast_in_dim3A_105] : memref<512x32xf32, #tpu.memory_space<vmem>>[vector<16xi32>, vector<16xi32>], vector<16xf32>,
      %gather3A_107 = tpu.vector_load_idx %arg10[%add3A_19, %broadcast_in_dim3A_105] : memref<512x32xf32, #tpu.memory_space<vmem>>[vector<16xi32>, vector<16xi32>], vector<16xf32>,
      %mul3A_108 = arith.mulf %gather3A_106, %gather3A_107 : vector<16xf32>
      %add3A_109 = arith.addf %add3A_103, %mul3A_108 : vector<16xf32>
      %broadcast_in_dim3A_110 = arith.constant 15 : i32
      %broadcast_in_dim3A_111 = vector.broadcast %broadcast_in_dim3A_110 : i32 to vector<16xi32>
      %gather3A_112 = tpu.vector_load_idx %arg9[%add3A_19, %broadcast_in_dim3A_111] : memref<512x32xf32, #tpu.memory_space<vmem>>[vector<16xi32>, vector<16xi32>], vector<16xf32>,
      %gather3A_113 = tpu.vector_load_idx %arg10[%add3A_19, %broadcast_in_dim3A_111] : memref<512x32xf32, #tpu.memory_space<vmem>>[vector<16xi32>, vector<16xi32>], vector<16xf32>,
      %mul3A_114 = arith.mulf %gather3A_112, %gather3A_113 : vector<16xf32>
      %add3A_115 = arith.addf %add3A_109, %mul3A_114 : vector<16xf32>
      %broadcast_in_dim3A_116 = arith.constant 16 : i32
      %broadcast_in_dim3A_117 = vector.broadcast %broadcast_in_dim3A_116 : i32 to vector<16xi32>
      %gather3A_118 = tpu.vector_load_idx %arg9[%add3A_19, %broadcast_in_dim3A_117] : memref<512x32xf32, #tpu.memory_space<vmem>>[vector<16xi32>, vector<16xi32>], vector<16xf32>,
      %gather3A_119 = tpu.vector_load_idx %arg10[%add3A_19, %broadcast_in_dim3A_117] : memref<512x32xf32, #tpu.memory_space<vmem>>[vector<16xi32>, vector<16xi32>], vector<16xf32>,
      %mul3A_120 = arith.mulf %gather3A_118, %gather3A_119 : vector<16xf32>
      %add3A_121 = arith.addf %add3A_115, %mul3A_120 : vector<16xf32>
      %broadcast_in_dim3A_122 = arith.constant 17 : i32
      %broadcast_in_dim3A_123 = vector.broadcast %broadcast_in_dim3A_122 : i32 to vector<16xi32>
      %gather3A_124 = tpu.vector_load_idx %arg9[%add3A_19, %broadcast_in_dim3A_123] : memref<512x32xf32, #tpu.memory_space<vmem>>[vector<16xi32>, vector<16xi32>], vector<16xf32>,
      %gather3A_125 = tpu.vector_load_idx %arg10[%add3A_19, %broadcast_in_dim3A_123] : memref<512x32xf32, #tpu.memory_space<vmem>>[vector<16xi32>, vector<16xi32>], vector<16xf32>,
      %mul3A_126 = arith.mulf %gather3A_124, %gather3A_125 : vector<16xf32>
      %add3A_127 = arith.addf %add3A_121, %mul3A_126 : vector<16xf32>
      %broadcast_in_dim3A_128 = arith.constant 18 : i32
      %broadcast_in_dim3A_129 = vector.broadcast %broadcast_in_dim3A_128 : i32 to vector<16xi32>
      %gather3A_130 = tpu.vector_load_idx %arg9[%add3A_19, %broadcast_in_dim3A_129] : memref<512x32xf32, #tpu.memory_space<vmem>>[vector<16xi32>, vector<16xi32>], vector<16xf32>,
      %gather3A_131 = tpu.vector_load_idx %arg10[%add3A_19, %broadcast_in_dim3A_129] : memref<512x32xf32, #tpu.memory_space<vmem>>[vector<16xi32>, vector<16xi32>], vector<16xf32>,
      %mul3A_132 = arith.mulf %gather3A_130, %gather3A_131 : vector<16xf32>
      %add3A_133 = arith.addf %add3A_127, %mul3A_132 : vector<16xf32>
      %broadcast_in_dim3A_134 = arith.constant 19 : i32
      %broadcast_in_dim3A_135 = vector.broadcast %broadcast_in_dim3A_134 : i32 to vector<16xi32>
      %gather3A_136 = tpu.vector_load_idx %arg9[%add3A_19, %broadcast_in_dim3A_135] : memref<512x32xf32, #tpu.memory_space<vmem>>[vector<16xi32>, vector<16xi32>], vector<16xf32>,
      %gather3A_137 = tpu.vector_load_idx %arg10[%add3A_19, %broadcast_in_dim3A_135] : memref<512x32xf32, #tpu.memory_space<vmem>>[vector<16xi32>, vector<16xi32>], vector<16xf32>,
      %mul3A_138 = arith.mulf %gather3A_136, %gather3A_137 : vector<16xf32>
      %add3A_139 = arith.addf %add3A_133, %mul3A_138 : vector<16xf32>
      %broadcast_in_dim3A_140 = arith.constant 20 : i32
      %broadcast_in_dim3A_141 = vector.broadcast %broadcast_in_dim3A_140 : i32 to vector<16xi32>
      %gather3A_142 = tpu.vector_load_idx %arg9[%add3A_19, %broadcast_in_dim3A_141] : memref<512x32xf32, #tpu.memory_space<vmem>>[vector<16xi32>, vector<16xi32>], vector<16xf32>,
      %gather3A_143 = tpu.vector_load_idx %arg10[%add3A_19, %broadcast_in_dim3A_141] : memref<512x32xf32, #tpu.memory_space<vmem>>[vector<16xi32>, vector<16xi32>], vector<16xf32>,
      %mul3A_144 = arith.mulf %gather3A_142, %gather3A_143 : vector<16xf32>
      %add3A_145 = arith.addf %add3A_139, %mul3A_144 : vector<16xf32>
      %broadcast_in_dim3A_146 = arith.constant 21 : i32
      %broadcast_in_dim3A_147 = vector.broadcast %broadcast_in_dim3A_146 : i32 to vector<16xi32>
      %gather3A_148 = tpu.vector_load_idx %arg9[%add3A_19, %broadcast_in_dim3A_147] : memref<512x32xf32, #tpu.memory_space<vmem>>[vector<16xi32>, vector<16xi32>], vector<16xf32>,
      %gather3A_149 = tpu.vector_load_idx %arg10[%add3A_19, %broadcast_in_dim3A_147] : memref<512x32xf32, #tpu.memory_space<vmem>>[vector<16xi32>, vector<16xi32>], vector<16xf32>,
      %mul3A_150 = arith.mulf %gather3A_148, %gather3A_149 : vector<16xf32>
      %add3A_151 = arith.addf %add3A_145, %mul3A_150 : vector<16xf32>
      %broadcast_in_dim3A_152 = arith.constant 22 : i32
      %broadcast_in_dim3A_153 = vector.broadcast %broadcast_in_dim3A_152 : i32 to vector<16xi32>
      %gather3A_154 = tpu.vector_load_idx %arg9[%add3A_19, %broadcast_in_dim3A_153] : memref<512x32xf32, #tpu.memory_space<vmem>>[vector<16xi32>, vector<16xi32>], vector<16xf32>,
      %gather3A_155 = tpu.vector_load_idx %arg10[%add3A_19, %broadcast_in_dim3A_153] : memref<512x32xf32, #tpu.memory_space<vmem>>[vector<16xi32>, vector<16xi32>], vector<16xf32>,
      %mul3A_156 = arith.mulf %gather3A_154, %gather3A_155 : vector<16xf32>
      %add3A_157 = arith.addf %add3A_151, %mul3A_156 : vector<16xf32>
      %broadcast_in_dim3A_158 = arith.constant 23 : i32
      %broadcast_in_dim3A_159 = vector.broadcast %broadcast_in_dim3A_158 : i32 to vector<16xi32>
      %gather3A_160 = tpu.vector_load_idx %arg9[%add3A_19, %broadcast_in_dim3A_159] : memref<512x32xf32, #tpu.memory_space<vmem>>[vector<16xi32>, vector<16xi32>], vector<16xf32>,
      %gather3A_161 = tpu.vector_load_idx %arg10[%add3A_19, %broadcast_in_dim3A_159] : memref<512x32xf32, #tpu.memory_space<vmem>>[vector<16xi32>, vector<16xi32>], vector<16xf32>,
      %mul3A_162 = arith.mulf %gather3A_160, %gather3A_161 : vector<16xf32>
      %add3A_163 = arith.addf %add3A_157, %mul3A_162 : vector<16xf32>
      %broadcast_in_dim3A_164 = arith.constant 24 : i32
      %broadcast_in_dim3A_165 = vector.broadcast %broadcast_in_dim3A_164 : i32 to vector<16xi32>
      %gather3A_166 = tpu.vector_load_idx %arg9[%add3A_19, %broadcast_in_dim3A_165] : memref<512x32xf32, #tpu.memory_space<vmem>>[vector<16xi32>, vector<16xi32>], vector<16xf32>,
      %gather3A_167 = tpu.vector_load_idx %arg10[%add3A_19, %broadcast_in_dim3A_165] : memref<512x32xf32, #tpu.memory_space<vmem>>[vector<16xi32>, vector<16xi32>], vector<16xf32>,
      %mul3A_168 = arith.mulf %gather3A_166, %gather3A_167 : vector<16xf32>
      %add3A_169 = arith.addf %add3A_163, %mul3A_168 : vector<16xf32>
      %broadcast_in_dim3A_170 = arith.constant 25 : i32
      %broadcast_in_dim3A_171 = vector.broadcast %broadcast_in_dim3A_170 : i32 to vector<16xi32>
      %gather3A_172 = tpu.vector_load_idx %arg9[%add3A_19, %broadcast_in_dim3A_171] : memref<512x32xf32, #tpu.memory_space<vmem>>[vector<16xi32>, vector<16xi32>], vector<16xf32>,
      %gather3A_173 = tpu.vector_load_idx %arg10[%add3A_19, %broadcast_in_dim3A_171] : memref<512x32xf32, #tpu.memory_space<vmem>>[vector<16xi32>, vector<16xi32>], vector<16xf32>,
      %mul3A_174 = arith.mulf %gather3A_172, %gather3A_173 : vector<16xf32>
      %add3A_175 = arith.addf %add3A_169, %mul3A_174 : vector<16xf32>
      %broadcast_in_dim3A_176 = arith.constant 26 : i32
      %broadcast_in_dim3A_177 = vector.broadcast %broadcast_in_dim3A_176 : i32 to vector<16xi32>
      %gather3A_178 = tpu.vector_load_idx %arg9[%add3A_19, %broadcast_in_dim3A_177] : memref<512x32xf32, #tpu.memory_space<vmem>>[vector<16xi32>, vector<16xi32>], vector<16xf32>,
      %gather3A_179 = tpu.vector_load_idx %arg10[%add3A_19, %broadcast_in_dim3A_177] : memref<512x32xf32, #tpu.memory_space<vmem>>[vector<16xi32>, vector<16xi32>], vector<16xf32>,
      %mul3A_180 = arith.mulf %gather3A_178, %gather3A_179 : vector<16xf32>
      %add3A_181 = arith.addf %add3A_175, %mul3A_180 : vector<16xf32>
      %broadcast_in_dim3A_182 = arith.constant 27 : i32
      %broadcast_in_dim3A_183 = vector.broadcast %broadcast_in_dim3A_182 : i32 to vector<16xi32>
      %gather3A_184 = tpu.vector_load_idx %arg9[%add3A_19, %broadcast_in_dim3A_183] : memref<512x32xf32, #tpu.memory_space<vmem>>[vector<16xi32>, vector<16xi32>], vector<16xf32>,
      %gather3A_185 = tpu.vector_load_idx %arg10[%add3A_19, %broadcast_in_dim3A_183] : memref<512x32xf32, #tpu.memory_space<vmem>>[vector<16xi32>, vector<16xi32>], vector<16xf32>,
      %mul3A_186 = arith.mulf %gather3A_184, %gather3A_185 : vector<16xf32>
      %add3A_187 = arith.addf %add3A_181, %mul3A_186 : vector<16xf32>
      %broadcast_in_dim3A_188 = arith.constant 28 : i32
      %broadcast_in_dim3A_189 = vector.broadcast %broadcast_in_dim3A_188 : i32 to vector<16xi32>
      %gather3A_190 = tpu.vector_load_idx %arg9[%add3A_19, %broadcast_in_dim3A_189] : memref<512x32xf32, #tpu.memory_space<vmem>>[vector<16xi32>, vector<16xi32>], vector<16xf32>,
      %gather3A_191 = tpu.vector_load_idx %arg10[%add3A_19, %broadcast_in_dim3A_189] : memref<512x32xf32, #tpu.memory_space<vmem>>[vector<16xi32>, vector<16xi32>], vector<16xf32>,
      %mul3A_192 = arith.mulf %gather3A_190, %gather3A_191 : vector<16xf32>
      %add3A_193 = arith.addf %add3A_187, %mul3A_192 : vector<16xf32>
      %broadcast_in_dim3A_194 = arith.constant 29 : i32
      %broadcast_in_dim3A_195 = vector.broadcast %broadcast_in_dim3A_194 : i32 to vector<16xi32>
      %gather3A_196 = tpu.vector_load_idx %arg9[%add3A_19, %broadcast_in_dim3A_195] : memref<512x32xf32, #tpu.memory_space<vmem>>[vector<16xi32>, vector<16xi32>], vector<16xf32>,
      %gather3A_197 = tpu.vector_load_idx %arg10[%add3A_19, %broadcast_in_dim3A_195] : memref<512x32xf32, #tpu.memory_space<vmem>>[vector<16xi32>, vector<16xi32>], vector<16xf32>,
      %mul3A_198 = arith.mulf %gather3A_196, %gather3A_197 : vector<16xf32>
      %add3A_199 = arith.addf %add3A_193, %mul3A_198 : vector<16xf32>
      %broadcast_in_dim3A_200 = arith.constant 30 : i32
      %broadcast_in_dim3A_201 = vector.broadcast %broadcast_in_dim3A_200 : i32 to vector<16xi32>
      %gather3A_202 = tpu.vector_load_idx %arg9[%add3A_19, %broadcast_in_dim3A_201] : memref<512x32xf32, #tpu.memory_space<vmem>>[vector<16xi32>, vector<16xi32>], vector<16xf32>,
      %gather3A_203 = tpu.vector_load_idx %arg10[%add3A_19, %broadcast_in_dim3A_201] : memref<512x32xf32, #tpu.memory_space<vmem>>[vector<16xi32>, vector<16xi32>], vector<16xf32>,
      %mul3A_204 = arith.mulf %gather3A_202, %gather3A_203 : vector<16xf32>
      %add3A_205 = arith.addf %add3A_199, %mul3A_204 : vector<16xf32>
      %broadcast_in_dim3A_206 = arith.constant 31 : i32
      %broadcast_in_dim3A_207 = vector.broadcast %broadcast_in_dim3A_206 : i32 to vector<16xi32>
      %gather3A_208 = tpu.vector_load_idx %arg9[%add3A_19, %broadcast_in_dim3A_207] : memref<512x32xf32, #tpu.memory_space<vmem>>[vector<16xi32>, vector<16xi32>], vector<16xf32>,
      %gather3A_209 = tpu.vector_load_idx %arg10[%add3A_19, %broadcast_in_dim3A_207] : memref<512x32xf32, #tpu.memory_space<vmem>>[vector<16xi32>, vector<16xi32>], vector<16xf32>,
      %mul3A_210 = arith.mulf %gather3A_208, %gather3A_209 : vector<16xf32>
      %add3A_211 = arith.addf %add3A_205, %mul3A_210 : vector<16xf32>
      %get3A = arith.index_cast %multiple_of3A : i32 to index
      %get3A_212 = tpu.vector_load %arg12[%get3A] {strides = array<i32>} : memref<512xf32, #tpu.memory_space<vmem>>, vector<16xf32>,
      %add3A_213 = arith.addf %add3A_211, %get3A_212 : vector<16xf32>
      %get3A_214 = arith.index_cast %multiple_of3A : i32 to index
      %get3A_215 = tpu.vector_load %arg11[%get3A_214] {strides = array<i32>} : memref<512xf32, #tpu.memory_space<vmem>>, vector<16xf32>,
      %add3A_216 = arith.addf %add3A_213, %get3A_215 : vector<16xf32>
      %swap3A = arith.index_cast %multiple_of3A : i32 to index
      %swap3A_217 = tpu.vector_load %arg13[%swap3A] {strides = array<i32>} : memref<512xf32, #tpu.memory_space<vmem>>, vector<16xf32>,
      tpu.vector_store %arg13[%swap3A], %add3A_216 {strides = array<i32>} : memref<512xf32, #tpu.memory_space<vmem>>, vector<16xf32>,
    }
    %scan3A_14 = arith.constant 32 : i32
    "tpu.region"() ({
      %run_scoped3A = tpu.sem_alloc : memref<!tpu.dma_semaphore, #tpu.memory_space<semaphore_mem>>
      %dma_start3A_15 = tpu.memref_slice %arg7[%mul3A_2] : memref<16384xf32, #tpu.memory_space<hbm>> -> memref<512xf32, #tpu.memory_space<hbm>>
      %dma_start3A_16 = tpu.memref_slice %arg7[%mul3A_2] : memref<16384xf32, #tpu.memory_space<hbm>> -> memref<512xf32, #tpu.memory_space<hbm>>
      tpu.enqueue_dma source(%arg13 : memref<512xf32, #tpu.memory_space<vmem>>) target(%dma_start3A_16 : memref<512xf32, #tpu.memory_space<hbm>>) target_semaphore(%run_scoped3A : memref<!tpu.dma_semaphore, #tpu.memory_space<semaphore_mem>>)
      %dma_wait3A_17 = tpu.memref_slice %arg7[%mul3A_2] : memref<16384xf32, #tpu.memory_space<hbm>> -> memref<512xf32, #tpu.memory_space<hbm>>
      %dma_wait3A_18 = tpu.memref_slice %arg7[%mul3A_2] : memref<16384xf32, #tpu.memory_space<hbm>> -> memref<512xf32, #tpu.memory_space<hbm>>
      tpu.wait_dma2 semaphore(%run_scoped3A : memref<!tpu.dma_semaphore, #tpu.memory_space<semaphore_mem>>) src(%arg13 : memref<512xf32, #tpu.memory_space<vmem>>) dst(%dma_wait3A_18 : memref<512xf32, #tpu.memory_space<hbm>>)
      tpu.yield
    }) : () -> ()
    return
  }
}

</mosaic_0001>

<sc_bundles>
// kernel: kernel.4.cloned.1.call-start
scs
__scs_entry_jumppad:
0x0: {  	(pc) =	sbr.rel $0x88, $3  }
0x1: {  	(tag) =	ssettag $0x0;
	lr =	simm.s32 $0x1  }
0x2: {  	[smem:$0x3F9A] =	sst lr;
	_ =	strace $0xD0000000  }
0x3: {  	_ = 	snop  }
0x4: {  	_ = 	snop  }
0x5: {  	_ = 	snop  }
0x6: {  	_ = 	snop  }
0x7: {  	_ = 	snop  }
__scs_overlays_trampoline_lowered:
0x8: {  	[smem:$0x3FA9] =	sst s0  }
0x9: {  	[smem:$0x3FAA] =	sst s1  }
0xa: {  	[smem:$0x3FAB] =	sst s2  }
0xb: {  	[smem:$0x3FAC] =	sst s3  }
0xc: {  	[smem:$0x3FAD] =	sst s4  }
0xd: {  	[smem:$0x3FAE] =	sst s5  }
0xe: {  	[smem:$0x3FAF] =	sst s6  }
0xf: {  	[smem:$0x3FB0] =	sst s7  }
0x10: {  	[smem:$0x3FB1] =	sst s8  }
0x11: {  	[smem:$0x3FB2] =	sst s9;
	s0 =	simm.s32 @!p0 $0x0  }
0x12: {  	s1 =	sld [smem:$0x3F98];
	s0 =	simm.s32 @p0 $0x1  }
0x13: {  	[smem:$0x3FB3] =	sst s0;
	s0 =	simm.s32 @!p1 $0x0  }
0x14: {  	s2 =	sld [smem:$0x3F97];
	s0 =	simm.s32 @p1 $0x1  }
0x15: {  	[smem:$0x3FB4] =	sst s0;
	s0 =	simm.s32 @!p2 $0x0  }
0x16: {  	s3 =	sld [smem:$0x3FDB];
	s0 =	simm.s32 @p2 $0x1  }
0x17: {  	s4 =	simm.s32 $0x1BF5;
	[smem:$0x3FB6] =	sst s0  }
0x18: {  	s0 =	sld [smem:$0x3F99];
	_ =	swait.ge [sflag:s4], $0x0  }
0x19: {  	s7 =	sld [smem:$0x3F9A]  }
0x1a: {  	s8 =	sadd.s32 $0xFFFFE003, lr  }
0x1b: {  	s9 =	sadd.s32 $0xFFFFFEF7, lr;
	s5 =	simm.s32 $0xFFFFFFFF;
	p2 =	slt.u32 s8, $0xFFFFF086  }
0x1c: {  	p1 =	slt.u32 s9, $0xF7A;
	s5 =	simm.s32 @!p2 $0x0  }
0x1d: {  	s5 =	simm.s32 @p1 $0x1;
	p0 =	seq.s32 s7, s2  }
0x1e: {  	s7 =	smul.u32 @!p0 $0xF7A, s2;
	p2 =	seq.s32 @!p0 s5, $0x0  }
0x1f: {  	s9 =	smul.u32 $0xF7A, s1;
	s8 =	simm.s32 @!p0 $0x1BF5;
	p2 =	por !p2, p0  }
0x20: {  	[sflag:s8] =	ssyncset.s32 @!p0 $0xFFFFF086;
	s6 =	sadd.s32 @!p0 s3, s7;
	s7 =	simm.s32 @!p0 $0x108  }
0x21: {  	s3 =	sadd.s32 s3, s9;
	s6 =	sadd.s32 @!p0 $0x88, s6;
	s7 =	simm.s32 @p2 $0x1082  }
0x22: {  	[simem:s7], [sflag:s8] =	dma.local @!p0 [hbm:s6], $0xF7A  }
0x23: {  	s9 =	sor.u32 $0xD0000000, s2;
	s6 =	simm.s32 $0x108;
	_ =	swait.ge @!p0 [sflag:s8], $0x0  }
0x24: {  	s3 =	sadd.s32 $0x88, s3;
	s6 =	simm.s32 @!p1 $0x1082;
	[sflag:s4] =	ssyncset.s32 $0xFFFFF086  }
0x25: {  	[simem:s6], [sflag:s4] =	dma.local [hbm:s3], $0xF7A  }
0x26: {  	[smem:$0x3F9A] =	sst s1;
	(tag) =	ssettag s2;
	_ =	strace s9  }
0x27: {  	s1 =	sld [smem:$0x3FAA]  }
0x28: {  	s2 =	sld [smem:$0x3FAB]  }
0x29: {  	s4 =	sld [smem:$0x3FAD]  }
0x2a: {  	p0 =	seq.s32 s5, $0x0;
	s5 =	sld [smem:$0x3FAE]  }
0x2b: {  	s6 =	sld [smem:$0x3FAF]  }
0x2c: {  	s7 =	sld [smem:$0x3FB0]  }
0x2d: {  	s3 =	simm.s32 $0x108;
	s8 =	sld [smem:$0x3FB1]  }
0x2e: {  	s3 =	simm.s32 @!p0 $0x1082;
	s9 =	sld [smem:$0x3FB2]  }
0x2f: {  	lr =	sadd.s32 s0, s3;
	s0 =	sld [smem:$0x3FA9]  }
0x30: {  	s3 =	sld [smem:$0x3FAC]  }
0x31: {  	[smem:$0x3FB5] =	sst s10  }
0x32: {  	s10 =	sld [smem:$0x3FB3];
	_ =	sdelay $0x3  }
0x33: {  	p0 =	seq.s32 s10, $0x1;
	s10 =	sld [smem:$0x3FB5];
	_ =	sdelay $0x3  }
0x34: {  	[smem:$0x3FB5] =	sst s10  }
0x35: {  	s10 =	sld [smem:$0x3FB4];
	_ =	sdelay $0x3  }
0x36: {  	p1 =	seq.s32 s10, $0x1;
	s10 =	sld [smem:$0x3FB5];
	_ =	sdelay $0x3  }
0x37: {  	[smem:$0x3FB5] =	sst s10  }
0x38: {  	s10 =	sld [smem:$0x3FB6]  }
0x39: {  	_ = 	snop;
	(pc) =	sbr.ind lr, $3  }
0x3a: {  	_ = 	snop  }
0x3b: {  	_ = 	snop  }
0x3c: {  	p2 =	seq.s32 s10, $0x1;
	s10 =	sld [smem:$0x3FB5]  }
0x3d: {  	_ =	shalt  }
0x3e: {  	_ =	shalt  }
0x3f: {  	_ =	shalt  }
0x40: {  	_ =	shalt  }
0x41: {  	_ =	shalt  }
0x42: {  	_ =	shalt  }
0x43: {  	_ =	shalt  }
0x44: {  	_ =	shalt  }
0x45: {  	_ =	shalt  }
0x46: {  	_ =	shalt  }
0x47: {  	_ =	shalt  }
0x48: {  	_ =	shalt  }
0x49: {  	_ =	shalt  }
0x4a: {  	_ =	shalt  }
0x4b: {  	_ =	shalt  }
0x4c: {  	_ =	shalt  }
0x4d: {  	_ =	shalt  }
0x4e: {  	_ =	shalt  }
0x4f: {  	_ =	shalt  }
0x50: {  	_ =	shalt  }
0x51: {  	_ =	shalt  }
0x52: {  	_ =	shalt  }
0x53: {  	_ =	shalt  }
0x54: {  	_ =	shalt  }
0x55: {  	_ =	shalt  }
0x56: {  	_ =	shalt  }
0x57: {  	_ =	shalt  }
0x58: {  	_ =	shalt  }
0x59: {  	_ =	shalt  }
0x5a: {  	_ =	shalt  }
0x5b: {  	_ =	shalt  }
0x5c: {  	_ =	shalt  }
0x5d: {  	_ =	shalt  }
0x5e: {  	_ =	shalt  }
0x5f: {  	_ =	shalt  }
0x60: {  	_ =	shalt  }
0x61: {  	_ =	shalt  }
0x62: {  	_ =	shalt  }
0x63: {  	_ =	shalt  }
0x64: {  	_ =	shalt  }
0x65: {  	_ =	shalt  }
0x66: {  	_ =	shalt  }
0x67: {  	_ =	shalt  }
0x68: {  	_ =	shalt  }
0x69: {  	_ =	shalt  }
0x6a: {  	_ =	shalt  }
0x6b: {  	_ =	shalt  }
0x6c: {  	_ =	shalt  }
0x6d: {  	_ =	shalt  }
0x6e: {  	_ =	shalt  }
0x6f: {  	_ =	shalt  }
0x70: {  	_ =	shalt  }
0x71: {  	_ =	shalt  }
0x72: {  	_ =	shalt  }
0x73: {  	_ =	shalt  }
0x74: {  	_ =	shalt  }
0x75: {  	_ =	shalt  }
0x76: {  	_ =	shalt  }
0x77: {  	_ =	shalt  }
0x78: {  	_ =	shalt  }
0x79: {  	_ =	shalt  }
0x7a: {  	_ =	shalt  }
0x7b: {  	_ =	shalt  }
0x7c: {  	_ =	shalt  }
0x7d: {  	_ =	shalt  }
0x7e: {  	_ =	shalt  }
0x7f: {  	_ =	shalt  }
0x80: {  	_ =	shalt  }
0x81: {  	_ =	shalt  }
0x82: {  	_ =	shalt  }
0x83: {  	_ =	shalt  }
0x84: {  	_ =	shalt  }
0x85: {  	_ =	shalt  }
0x86: {  	_ =	shalt  }
0x87: {  	_ =	shalt  }
.Lfunc_end0:
.L_simem_size_0:
called_computation_lowered:
.L_overlay_start_0:
0x88: {  	s2 =	sld [smem:$0x3FD9]  }
0x89: {  	s3 =	sld [smem:$0x3FFE];
	_ =	sdelay $0x1  }
0x8a: {  	s1 =	srdreg.scid  }
0x8b: {  	s0 =	sand.u32 $0x1, s1  }
0x8c: {  	s17 =	sshll.u32 s0, $0xA;
	s2 =	sadd.s32 s3, s2  }
0x8d: {  	s2 =	sadd.s32 s2, s17  }
0x8e: {  	[smem:$0x3FC1] =	sst s2  }
0x8f: {  	_ = 	snop  }
0x90: {  	s2 =	sld [smem:$0x3FC9];
	(tm) =	ssettm $0x1  }
0x91: {  	s18 =	sld [smem:$0x3FFB];
	_ =	sdelay $0x3  }
0x92: {  	_ =	strace s18  }
0x93: {  	s3 =	sld [smem:$0x3FFC];
	_ =	sdelay $0x3  }
0x94: {  	_ =	strace s3  }
0x95: {  	s3 =	sld [smem:$0x3FFD];
	_ =	sdelay $0x3  }
0x96: {  	_ =	strace s3  }
0x97: {  	_ =	strace $0x8FFFFFFF  }
0x98: {  	s19 =	sld [smem:$0x3FDB];
	_ =	sdelay $0x1  }
0x99: {  	s4 =	simm.s32 $_scs_section_size  }
0x9a: {  	s5 =	simm.s32 $_size__tile_overlayer_lowered;
	s6 =	simm.s32 $_tile_overlayer_lowered  }
0x9b: {  	s22 =	simm.s32 $0x1BFF;
	s21 =	sshll.u32 s6, $0x1;
	s3 =	sadd.s32 s4, s19  }
0x9c: {  	s7 =	simm.s32 $0x0;
	s20 =	sshll.u32 s5, $0x1;
	s5 =	sadd.s32 s21, s3  }
0x9d: {  	[timem:s7], [sflag:s22] =	dma.local [hbm:s5], s20  }
0x9e: {  	_ =	swait.ge [sflag:s22], s20  }
0x9f: {  	s4 =	ssub.s32 $0x0, s20;
	[sflag:s22] =	ssyncset.done $0x0  }
0xa0: {  	[sflag:s22] =	ssyncadd.s32 s4;
	_ =	sdelay $0x1  }
0xa1: {  	s23 =	simm.s32 $0x1B8B  }
0xa2: {  	_ =	swait.ge [sflag:s23], $0x1  }
0xa3: {  	[sflag:s23] =	ssyncset.done $0x0  }
0xa4: {  	s25 =	simm.s32 $0x1B8E;
	s24 =	sld [smem:$0x3FFE];
	[sflag:s23] =	ssyncadd.s32 $0xFFFFFFFF  }
0xa5: {  	s26 =	simm.s32 $execute0_lowered;
	[smem:$0x3FD2] =	sst s25  }
0xa6: {  	s5 =	sshll.u32 s26, $0x1;
	_ =	strace $0x80000046;
	[dreg:$0x1] =	wrdreg $0xFFFFFFFF  }
0xa7: {  	s28 =	simm.s32 $_size_execute0_lowered;
	s3 =	sadd.s32 s3, s5;
	[dreg:$0x0] =	wrdreg $0x0  }
0xa8: {  	s5 =	sshll.u32 s28, $0x1;
	[dreg:$0x2] =	wrdreg s3  }
0xa9: {  	[dreg:$0x3] =	wrdreg s5  }
0xaa: {  	[dreg:$0x4] =	wrdreg $0xC0  }
0xab: {  	_ =	task [dreg:s7], $0x5FFFF  }
0xac: {  	[dreg:$0x1] =	wrdreg $0xFFFFFFFF  }
0xad: {  	[dreg:$0x0] =	wrdreg $0x60  }
0xae: {  	[dreg:$0x2] =	wrdreg s2  }
0xaf: {  	[dreg:$0x3] =	wrdreg s24  }
0xb0: {  	[dreg:$0x4] =	wrdreg $0x9  }
0xb1: {  	_ =	task.clear_ibuf [dreg:s7], $0x5FFFF;
	_ =	strace $0x90000046  }
0xb2: {  	s29 =	simm.s32 $0x9;
	_ =	strace $0x80000048  }
0xb3: {  	_ =	swait.ge [sflag:s29], $0x1  }
0xb4: {  	[sflag:s29] =	ssyncadd.s32 $0xFFFFFFFF  }
0xb5: {  	_ =	strace $0x90000048  }
0xb6: {  	_ =	sfence  }
0xb7: {  	s30 =	sld [smem:$0x0];
	_ =	sdelay $0x2  }
0xb8: {  	s31 =	sshll.u32 s1, $0xD;
	s1 =	sshrl.u32 s1, $0x2  }
0xb9: {  	s3 =	sand.u32 $0x4000, s31;
	s1 =	sadd.s32 s1, s30  }
0xba: {  	s0 =	sor.u32 s3, s0;
	s1 =	sshll.u32 s1, $0x11  }
0xbb: {  	s0 =	sor.u32 s1, s0  }
0xbc: {  	s0 =	sadd.s32 $0x8F2B, s0  }
0xbd: {  	[sflag:s0] =	ssyncadd.remote.s32 $0x1  }
0xbe: {  	_ =	sfence.sel $0xFFFF  }
0xbf: {  	[dreg:$0x0] =	wrdreg $0xFFFFFFFF;
	(pc) =	sbr.abs _section_cstart, $3  }
0xc0: {  	[dreg:$0x1] =	wrdreg $0xFFFFFFFF  }
0xc1: {  	_ =	task.clear_ibuf [dreg:s7], $0x2FFFF;
	_ =	strace $0x9FFFFFFF  }
0xc2: {  	(tm) =	ssettm $0x7FFFFFFF  }
0xc3: {  	_ =	shalt  }
tec
execute0_lowered:
.L_overlay_start_1:
0x0: {  	(tag) =	ssettag $0x1  }
0x1: {  	s6 =	rddreg [dreg:$0x0]  }
0x2: {  	s7 =	rddreg [dreg:$0x1]  }
0x3: {  	s0 =	rddreg [dreg:$0x2]  }
0x4: {  	s2 =	simm.s32 $0x0;
	s3 =	srdreg.scid;
	s1 =	stileid.u32  }
0x5: {  	s12 =	simm.s32 $0x200;
	s13 =	simm.s32 $0x4200;
	s14 =	simm.s32 $0x2  }
0x6: {  	s15 =	simm.s32 $0x1;
	s16 =	simm.s32 $0x0;
	[smem:$0x7FF] =	sst s2  }
0x7: {  	s8 =	sand.u32 $0x1, s3;
	s3 =	sadd.s32 $0xF42A00, s7;
	s9 =	sshll.u32 s1, $0xA  }
0x8: {  	s4 =	sadd.s32 $0x600, s7;
	s5 =	sadd.s32 $0x1F000, s7;
	s10 =	sshll.u32 s8, $0x9  }
0x9: {  	_ =	strace $0x80000047;
	s8 =	ssub.s32 $0x2, s8;
	s9 =	sor.u32 s10, s9  }
0xa: {  	s11 =	sshrl.u32 s8, $0x1;
	s10 =	sshll.u32 s9, $0x2;
	s9 =	sshrl.u32 s9, $0x3  }
0xb: {  	s11 =	ssub.s32 s8, s11;
	s10 =	sadd.s32 s10, s7;
	s7 =	sadd.s32 s9, s7  }
0xc: {  	s6 =	sadd.s32 s6, s9;
	s9 =	smax.u32 s11, $0x1;
	s11 =	simm.s32 $0x4400  }
0xd: {  	s7 =	sadd.s32 $0x2F200, s7;
	s8 =	sadd.s32 $0x1F200, s10;
	s10 =	simm.s32 $0x3  }
.LBB2_1:
0xe: {  	[tilespmem:s2], [sflag:$0x3] =	stream.linear.gather [hbm4b:s6+s2], $0x200, $0x38;
	[tilespmem:$0x4410] =	vst v63  }
0xf: {  	_ =	swait.ge [sflag:s10], $0x200  }
0x10: {  	[sflag:s10] =	ssyncset.done $0x0  }
0x11: {  	[sflag:s10] =	ssyncadd.s32 $0xFFFFFE00  }
0x12: {  	[tilespmem:s11], [sflag:$0x3] =	stream.linear.gather [hbm4b:s5+s2], $0x10, $0x38;
	[tilespmem:$0x4410] =	vst v63  }
0x13: {  	_ =	swait.ge [sflag:s10], $0x10  }
0x14: {  	[sflag:s10] =	ssyncset.done $0x0  }
0x15: {  	[sflag:s10] =	ssyncadd.s32 $0xFFFFFFF0  }
0x16: {  	[tilespmem:s12], [sflag:$0x1] =	stream.indirect.gather [hbm4b:s3+s12], $0x20, s2, s12, $0xb8;
	[tilespmem:$0x4410] =	vst v63  }
0x17: {  	_ = 	snop  }
0x18: {  	[tilespmem:s13], [sflag:$0x2] =	stream.indirect.gather [hbm4b:s4+s12], $0x1, s2, s12, $0xb8;
	[tilespmem:$0x4410] =	vst v63  }
0x19: {  	_ =	swait.ge [sflag:s14], $0x200  }
0x1a: {  	[sflag:s14] =	ssyncset.done $0x0  }
0x1b: {  	[sflag:s14] =	ssyncadd.s32 $0xFFFFFE00  }
0x1c: {  	s17 =	simm.s32 $0x0;
	s18 =	simm.s32 $0x40;
	v0 =	vld [tilespmem:$0x4400]  }
.LBB2_2:
0x1d: {  	p0 =	sne.s32 s18, $0x7C0;
	v1 =	vld [tilespmem:s17+$0x4200];
	_ =	sdelay $0x2  }
.Ltmp0:
0x1e: {  	(pc) =	sbr.rel @p0 .LBB2_2-.Ltmp0, $3  }
0x1f: {  	_ = 	snop  }
0x20: {  	v1 =	vadd.f32 v1, v0;
	_ =	sdelay $0x1  }
0x21: {  	[tilespmem:s17+$0x4200] =	vst v1;
	s17 =	sshra.s32 s18, $0x2;
	s18 =	sadd.s32 $0x40, s18  }
0x22: {  	v1 =	vld [tilespmem:s17+$0x4200];
	_ =	sdelay $0x4  }
0x23: {  	v0 =	vadd.f32 v1, v0;
	_ =	sdelay $0x1  }
0x24: {  	[tilespmem:s17+$0x4200] =	vst v0  }
0x25: {  	[hbm4b:s7+s2] =	stream.linear.scatter [tilespmem:s13], [sflag:$0x3], $0x200, $0x38;
	[tilespmem:$0x4410] =	vst v63  }
0x26: {  	_ =	swait.ge [sflag:s10], $0x200  }
0x27: {  	[sflag:s10] =	ssyncset.done $0x0  }
0x28: {  	[sflag:s10] =	ssyncadd.s32 $0xFFFFFE00  }
0x29: {  	s16 =	sadd.s32 $0x1, s16;
	_ =	swait.ge [sflag:s15], $0x4000  }
0x2a: {  	p0 =	sne.s32 s16, s9;
	[sflag:s15] =	ssyncset.done $0x0  }
.Ltmp1:
0x2b: {  	[sflag:s15] =	ssyncadd.s32 $0xFFFFC000;
	(pc) =	sbr.rel @p0 .LBB2_1-.Ltmp1, $4  }
0x2c: {  	[hbm4b:s8+s2] =	stream.linear.scatter [tilespmem:s12], [sflag:$0x3], $0x4000, $0x38;
	[tilespmem:$0x4410] =	vst v63  }
0x2d: {  	_ =	swait.ge [sflag:s10], $0x4000  }
0x2e: {  	[sflag:s10] =	ssyncset.done $0x0  }
0x2f: {  	[sflag:s10] =	ssyncadd.s32 $0xFFFFC000  }
0x30: {  	_ =	sfence.sel $0x180000  }
0x31: {  	[bflag:$0x0] =	sbarrier.arrive $0xFFFF  }
0x32: {  	p0 =	sne.s32 s1, $0x0;
	_ =	strace $0x90000047  }
0x33: {  	s0 =	sadd.s32 @!p0 $0x100000, s0;
	[bflag:$0x2] =	sbarrier.arrive $0xFFFF  }
0x34: {  	[sflag:s0] =	ssyncadd.tile.s32 @!p0 $0x1;
	_ =	shalt  }
.Lfunc_end2:
_tile_overlayer_lowered:
.L_overlay_start_2:
0x35: {  	(tag) =	ssettag $0x2  }
0x36: {  	s0 =	rddreg [dreg:$0x0];
	s2 =	stileid.u32  }
0x37: {  	s1 =	rddreg [dreg:$0x1];
	p0 =	sne.s32 s2, $0x0  }
0x38: {  	s3 =	rddreg [dreg:$0x2];
	[bflag:$0x3] =	sbarrier.arrive $0xFFFF;
	s2 =	simm.s32 @!p0 $0x1C03  }
0x39: {  	[timem:s3], [sflag:s2] =	dma.local @!p0 [hbm:s0], s1  }
0x3a: {  	s0 =	simm.s32 @!p0 $0x3  }
0x3b: {  	_ =	swait.ge @!p0 [sflag:s0], s1  }
0x3c: {  	s1 =	ssub.s32 @!p0 $0x0, s1;
	[sflag:s0] =	ssyncset.done @!p0 $0x0  }
0x3d: {  	[sflag:s0] =	ssyncadd.s32 @!p0 s1  }
0x3e: {  	[bflag:$0x3] =	sbarrier.arrive $0xFFFF  }
0x3f: {  	_ =	shalt  }

// kernel: kernel.7.cloned.1.call-start
scs
__scs_entry_jumppad:
0x0: {  	(pc) =	sbr.rel $0x88, $3  }
0x1: {  	(tag) =	ssettag $0x0;
	lr =	simm.s32 $0x1  }
0x2: {  	[smem:$0x3F9A] =	sst lr;
	_ =	strace $0xD0000000  }
0x3: {  	_ = 	snop  }
0x4: {  	_ = 	snop  }
0x5: {  	_ = 	snop  }
0x6: {  	_ = 	snop  }
0x7: {  	_ = 	snop  }
__scs_overlays_trampoline_lowered:
0x8: {  	[smem:$0x3FA9] =	sst s0  }
0x9: {  	[smem:$0x3FAA] =	sst s1  }
0xa: {  	[smem:$0x3FAB] =	sst s2  }
0xb: {  	[smem:$0x3FAC] =	sst s3  }
0xc: {  	[smem:$0x3FAD] =	sst s4  }
0xd: {  	[smem:$0x3FAE] =	sst s5  }
0xe: {  	[smem:$0x3FAF] =	sst s6  }
0xf: {  	[smem:$0x3FB0] =	sst s7  }
0x10: {  	[smem:$0x3FB1] =	sst s8  }
0x11: {  	[smem:$0x3FB2] =	sst s9;
	s0 =	simm.s32 @!p0 $0x0  }
0x12: {  	s1 =	sld [smem:$0x3F98];
	s0 =	simm.s32 @p0 $0x1  }
0x13: {  	[smem:$0x3FB3] =	sst s0;
	s0 =	simm.s32 @!p1 $0x0  }
0x14: {  	s2 =	sld [smem:$0x3F97];
	s0 =	simm.s32 @p1 $0x1  }
0x15: {  	[smem:$0x3FB4] =	sst s0;
	s0 =	simm.s32 @!p2 $0x0  }
0x16: {  	s3 =	sld [smem:$0x3FDB];
	s0 =	simm.s32 @p2 $0x1  }
0x17: {  	s4 =	simm.s32 $0x1BF5;
	[smem:$0x3FB6] =	sst s0  }
0x18: {  	s0 =	sld [smem:$0x3F99];
	_ =	swait.ge [sflag:s4], $0x0  }
0x19: {  	s7 =	sld [smem:$0x3F9A]  }
0x1a: {  	s8 =	sadd.s32 $0xFFFFE003, lr  }
0x1b: {  	s9 =	sadd.s32 $0xFFFFFEF7, lr;
	s5 =	simm.s32 $0xFFFFFFFF;
	p2 =	slt.u32 s8, $0xFFFFF086  }
0x1c: {  	p1 =	slt.u32 s9, $0xF7A;
	s5 =	simm.s32 @!p2 $0x0  }
0x1d: {  	s5 =	simm.s32 @p1 $0x1;
	p0 =	seq.s32 s7, s2  }
0x1e: {  	s7 =	smul.u32 @!p0 $0xF7A, s2;
	p2 =	seq.s32 @!p0 s5, $0x0  }
0x1f: {  	s9 =	smul.u32 $0xF7A, s1;
	s8 =	simm.s32 @!p0 $0x1BF5;
	p2 =	por !p2, p0  }
0x20: {  	[sflag:s8] =	ssyncset.s32 @!p0 $0xFFFFF086;
	s6 =	sadd.s32 @!p0 s3, s7;
	s7 =	simm.s32 @!p0 $0x108  }
0x21: {  	s3 =	sadd.s32 s3, s9;
	s6 =	sadd.s32 @!p0 $0x88, s6;
	s7 =	simm.s32 @p2 $0x1082  }
0x22: {  	[simem:s7], [sflag:s8] =	dma.local @!p0 [hbm:s6], $0xF7A  }
0x23: {  	s9 =	sor.u32 $0xD0000000, s2;
	s6 =	simm.s32 $0x108;
	_ =	swait.ge @!p0 [sflag:s8], $0x0  }
0x24: {  	s3 =	sadd.s32 $0x88, s3;
	s6 =	simm.s32 @!p1 $0x1082;
	[sflag:s4] =	ssyncset.s32 $0xFFFFF086  }
0x25: {  	[simem:s6], [sflag:s4] =	dma.local [hbm:s3], $0xF7A  }
0x26: {  	[smem:$0x3F9A] =	sst s1;
	(tag) =	ssettag s2;
	_ =	strace s9  }
0x27: {  	s1 =	sld [smem:$0x3FAA]  }
0x28: {  	s2 =	sld [smem:$0x3FAB]  }
0x29: {  	s4 =	sld [smem:$0x3FAD]  }
0x2a: {  	p0 =	seq.s32 s5, $0x0;
	s5 =	sld [smem:$0x3FAE]  }
0x2b: {  	s6 =	sld [smem:$0x3FAF]  }
0x2c: {  	s7 =	sld [smem:$0x3FB0]  }
0x2d: {  	s3 =	simm.s32 $0x108;
	s8 =	sld [smem:$0x3FB1]  }
0x2e: {  	s3 =	simm.s32 @!p0 $0x1082;
	s9 =	sld [smem:$0x3FB2]  }
0x2f: {  	lr =	sadd.s32 s0, s3;
	s0 =	sld [smem:$0x3FA9]  }
0x30: {  	s3 =	sld [smem:$0x3FAC]  }
0x31: {  	[smem:$0x3FB5] =	sst s10  }
0x32: {  	s10 =	sld [smem:$0x3FB3];
	_ =	sdelay $0x3  }
0x33: {  	p0 =	seq.s32 s10, $0x1;
	s10 =	sld [smem:$0x3FB5];
	_ =	sdelay $0x3  }
0x34: {  	[smem:$0x3FB5] =	sst s10  }
0x35: {  	s10 =	sld [smem:$0x3FB4];
	_ =	sdelay $0x3  }
0x36: {  	p1 =	seq.s32 s10, $0x1;
	s10 =	sld [smem:$0x3FB5];
	_ =	sdelay $0x3  }
0x37: {  	[smem:$0x3FB5] =	sst s10  }
0x38: {  	s10 =	sld [smem:$0x3FB6]  }
0x39: {  	_ = 	snop;
	(pc) =	sbr.ind lr, $3  }
0x3a: {  	_ = 	snop  }
0x3b: {  	_ = 	snop  }
0x3c: {  	p2 =	seq.s32 s10, $0x1;
	s10 =	sld [smem:$0x3FB5]  }
0x3d: {  	_ =	shalt  }
0x3e: {  	_ =	shalt  }
0x3f: {  	_ =	shalt  }
0x40: {  	_ =	shalt  }
0x41: {  	_ =	shalt  }
0x42: {  	_ =	shalt  }
0x43: {  	_ =	shalt  }
0x44: {  	_ =	shalt  }
0x45: {  	_ =	shalt  }
0x46: {  	_ =	shalt  }
0x47: {  	_ =	shalt  }
0x48: {  	_ =	shalt  }
0x49: {  	_ =	shalt  }
0x4a: {  	_ =	shalt  }
0x4b: {  	_ =	shalt  }
0x4c: {  	_ =	shalt  }
0x4d: {  	_ =	shalt  }
0x4e: {  	_ =	shalt  }
0x4f: {  	_ =	shalt  }
0x50: {  	_ =	shalt  }
0x51: {  	_ =	shalt  }
0x52: {  	_ =	shalt  }
0x53: {  	_ =	shalt  }
0x54: {  	_ =	shalt  }
0x55: {  	_ =	shalt  }
0x56: {  	_ =	shalt  }
0x57: {  	_ =	shalt  }
0x58: {  	_ =	shalt  }
0x59: {  	_ =	shalt  }
0x5a: {  	_ =	shalt  }
0x5b: {  	_ =	shalt  }
0x5c: {  	_ =	shalt  }
0x5d: {  	_ =	shalt  }
0x5e: {  	_ =	shalt  }
0x5f: {  	_ =	shalt  }
0x60: {  	_ =	shalt  }
0x61: {  	_ =	shalt  }
0x62: {  	_ =	shalt  }
0x63: {  	_ =	shalt  }
0x64: {  	_ =	shalt  }
0x65: {  	_ =	shalt  }
0x66: {  	_ =	shalt  }
0x67: {  	_ =	shalt  }
0x68: {  	_ =	shalt  }
0x69: {  	_ =	shalt  }
0x6a: {  	_ =	shalt  }
0x6b: {  	_ =	shalt  }
0x6c: {  	_ =	shalt  }
0x6d: {  	_ =	shalt  }
0x6e: {  	_ =	shalt  }
0x6f: {  	_ =	shalt  }
0x70: {  	_ =	shalt  }
0x71: {  	_ =	shalt  }
0x72: {  	_ =	shalt  }
0x73: {  	_ =	shalt  }
0x74: {  	_ =	shalt  }
0x75: {  	_ =	shalt  }
0x76: {  	_ =	shalt  }
0x77: {  	_ =	shalt  }
0x78: {  	_ =	shalt  }
0x79: {  	_ =	shalt  }
0x7a: {  	_ =	shalt  }
0x7b: {  	_ =	shalt  }
0x7c: {  	_ =	shalt  }
0x7d: {  	_ =	shalt  }
0x7e: {  	_ =	shalt  }
0x7f: {  	_ =	shalt  }
0x80: {  	_ =	shalt  }
0x81: {  	_ =	shalt  }
0x82: {  	_ =	shalt  }
0x83: {  	_ =	shalt  }
0x84: {  	_ =	shalt  }
0x85: {  	_ =	shalt  }
0x86: {  	_ =	shalt  }
0x87: {  	_ =	shalt  }
.Lfunc_end0:
.L_simem_size_0:
called_computation.1_lowered:
.L_overlay_start_0:
0x88: {  	s2 =	sld [smem:$0x3FD9]  }
0x89: {  	s3 =	sld [smem:$0x3FFE];
	_ =	sdelay $0x1  }
0x8a: {  	s1 =	srdreg.scid  }
0x8b: {  	s0 =	sand.u32 $0x1, s1  }
0x8c: {  	s17 =	sshll.u32 s0, $0xA;
	s2 =	sadd.s32 s3, s2  }
0x8d: {  	s2 =	sadd.s32 s2, s17  }
0x8e: {  	[smem:$0x3FC1] =	sst s2  }
0x8f: {  	_ = 	snop  }
0x90: {  	s2 =	sld [smem:$0x3FC8]  }
0x91: {  	s18 =	sld [smem:$0x3FD0];
	(tm) =	ssettm $0x1  }
0x92: {  	s4 =	sld [smem:$0x3FFB];
	_ =	sdelay $0x3  }
0x93: {  	_ =	strace s4  }
0x94: {  	s4 =	sld [smem:$0x3FFC];
	_ =	sdelay $0x3  }
0x95: {  	_ =	strace s4  }
0x96: {  	s4 =	sld [smem:$0x3FFD];
	_ =	sdelay $0x3  }
0x97: {  	_ =	strace s4  }
0x98: {  	_ =	strace $0x8FFFFFFF  }
0x99: {  	s19 =	sld [smem:$0x3FDB];
	_ =	sdelay $0x1  }
0x9a: {  	s5 =	simm.s32 $_scs_section_size  }
0x9b: {  	s6 =	simm.s32 $_size__tile_overlayer_lowered;
	s7 =	simm.s32 $_tile_overlayer_lowered  }
0x9c: {  	s22 =	simm.s32 $0x1BFF;
	s21 =	sshll.u32 s7, $0x1;
	s4 =	sadd.s32 s5, s19  }
0x9d: {  	s8 =	simm.s32 $0x0;
	s20 =	sshll.u32 s6, $0x1;
	s6 =	sadd.s32 s21, s4  }
0x9e: {  	[timem:s8], [sflag:s22] =	dma.local [hbm:s6], s20  }
0x9f: {  	_ =	swait.ge [sflag:s22], s20  }
0xa0: {  	s5 =	ssub.s32 $0x0, s20;
	[sflag:s22] =	ssyncset.done $0x0  }
0xa1: {  	[sflag:s22] =	ssyncadd.s32 s5;
	_ =	sdelay $0x1  }
0xa2: {  	s23 =	simm.s32 $0x1B8B  }
0xa3: {  	_ =	swait.ge [sflag:s23], $0x1  }
0xa4: {  	[sflag:s23] =	ssyncset.done $0x0  }
0xa5: {  	s25 =	simm.s32 $0x1B8E;
	s24 =	sld [smem:$0x3FFE];
	[sflag:s23] =	ssyncadd.s32 $0xFFFFFFFF  }
0xa6: {  	s26 =	simm.s32 $execute0_lowered;
	[smem:$0x3FD2] =	sst s25  }
0xa7: {  	s6 =	sshll.u32 s26, $0x1;
	_ =	strace $0x80000049;
	[dreg:$0x1] =	wrdreg $0xFFFFFFFF  }
0xa8: {  	s28 =	simm.s32 $_size_execute0_lowered;
	s4 =	sadd.s32 s4, s6;
	[dreg:$0x0] =	wrdreg $0x0  }
0xa9: {  	s6 =	sshll.u32 s28, $0x1;
	[dreg:$0x2] =	wrdreg s4  }
0xaa: {  	[dreg:$0x3] =	wrdreg s6  }
0xab: {  	[dreg:$0x4] =	wrdreg $0xC0  }
0xac: {  	_ =	task [dreg:s8], $0x5FFFF  }
0xad: {  	[dreg:$0x1] =	wrdreg $0xFFFFFFFF  }
0xae: {  	[dreg:$0x0] =	wrdreg $0x60  }
0xaf: {  	[dreg:$0x2] =	wrdreg s2  }
0xb0: {  	[dreg:$0x3] =	wrdreg s24  }
0xb1: {  	[dreg:$0x4] =	wrdreg s18  }
0xb2: {  	[dreg:$0x5] =	wrdreg $0x9  }
0xb3: {  	_ =	task.clear_ibuf [dreg:s8], $0x6FFFF;
	_ =	strace $0x90000049  }
0xb4: {  	s29 =	simm.s32 $0x9;
	_ =	strace $0x8000004B  }
0xb5: {  	_ =	swait.ge [sflag:s29], $0x1  }
0xb6: {  	[sflag:s29] =	ssyncadd.s32 $0xFFFFFFFF  }
0xb7: {  	_ =	strace $0x9000004B  }
0xb8: {  	_ =	sfence  }
0xb9: {  	s30 =	sld [smem:$0x0];
	_ =	sdelay $0x2  }
0xba: {  	s31 =	sshll.u32 s1, $0xD;
	s1 =	sshrl.u32 s1, $0x2  }
0xbb: {  	s3 =	sand.u32 $0x4000, s31;
	s1 =	sadd.s32 s1, s30  }
0xbc: {  	s0 =	sor.u32 s3, s0;
	s1 =	sshll.u32 s1, $0x11  }
0xbd: {  	s0 =	sor.u32 s1, s0  }
0xbe: {  	s0 =	sadd.s32 $0x8F2B, s0  }
0xbf: {  	[sflag:s0] =	ssyncadd.remote.s32 $0x1  }
0xc0: {  	_ =	sfence.sel $0xFFFF  }
0xc1: {  	[dreg:$0x0] =	wrdreg $0xFFFFFFFF;
	(pc) =	sbr.abs _section_cstart, $3  }
0xc2: {  	[dreg:$0x1] =	wrdreg $0xFFFFFFFF  }
0xc3: {  	_ =	task.clear_ibuf [dreg:s8], $0x2FFFF;
	_ =	strace $0x9FFFFFFF  }
0xc4: {  	(tm) =	ssettm $0x7FFFFFFF  }
0xc5: {  	_ =	shalt  }
tec
execute0_lowered:
.L_overlay_start_1:
0x0: {  	(tag) =	ssettag $0x1  }
0x1: {  	s5 =	rddreg [dreg:$0x0]  }
0x2: {  	s6 =	rddreg [dreg:$0x1]  }
0x3: {  	s8 =	rddreg [dreg:$0x2]  }
0x4: {  	s0 =	rddreg [dreg:$0x3]  }
0x5: {  	s2 =	simm.s32 $0x0;
	s3 =	srdreg.scid;
	s1 =	stileid.u32  }
0x6: {  	s13 =	simm.s32 $0x1;
	s14 =	simm.s32 $0x2;
	s15 =	simm.s32 $0x8600  }
0x7: {  	s16 =	simm.s32 $0x0;
	[smem:$0x7FF] =	sst s2;
	s7 =	sand.u32 $0x1, s3  }
0x8: {  	s3 =	sadd.s32 $0x2FA00, s6;
	s9 =	sshll.u32 s1, $0xA;
	s10 =	sshll.u32 s7, $0x9  }
0x9: {  	s4 =	sadd.s32 $0x400400, s6;
	s7 =	ssub.s32 $0x2, s7;
	s9 =	sor.u32 s10, s9  }
0xa: {  	_ =	strace $0x8000004A;
	s11 =	sshrl.u32 s7, $0x1;
	s10 =	sshll.u32 s9, $0x2  }
0xb: {  	s9 =	sshrl.u32 s9, $0x3;
	s11 =	ssub.s32 s7, s11;
	s10 =	sadd.s32 s10, s6  }
0xc: {  	v0 =	vlaneseq.u32;
	s12 =	sadd.s32 s9, s6;
	s5 =	sadd.s32 s5, s9;
	s8 =	sadd.s32 s8, s9  }
0xd: {  	v0 =	vmul.u32 $0x20, v0;
	s9 =	smax.u32 s11, $0x1;
	s11 =	simm.s32 $0x200;
	s6 =	sadd.s32 $0x1F200, s10  }
0xe: {  	s7 =	sadd.s32 $0x2F200, s12;
	s10 =	simm.s32 $0x3;
	s12 =	simm.s32 $0x4200  }
.LBB2_1:
0xf: {  	[tilespmem:s2], [sflag:$0x3] =	stream.linear.gather [hbm4b:s5+s2], $0x200, $0x38;
	[tilespmem:$0x8800] =	vst v63  }
0x10: {  	_ =	swait.ge [sflag:s10], $0x200  }
0x11: {  	[sflag:s10] =	ssyncset.done $0x0  }
0x12: {  	[sflag:s10] =	ssyncadd.s32 $0xFFFFFE00  }
0x13: {  	[tilespmem:s12], [sflag:$0x1] =	stream.indirect.gather [hbm4b:s3+s11], $0x20, s2, s11, $0xb8;
	[tilespmem:$0x8800] =	vst v63  }
0x14: {  	s17 =	simm.s32 $0x8200  }
0x15: {  	[tilespmem:s17], [sflag:$0x2] =	stream.indirect.gather [hbm4b:s4+s11], $0x1, s2, s11, $0xb8;
	[tilespmem:$0x8800] =	vst v63  }
0x16: {  	_ = 	snop  }
0x17: {  	[tilespmem:s11], [sflag:$0x3] =	stream.linear.gather [hbm4b:s6+s2], $0x4000, $0x38;
	[tilespmem:$0x8800] =	vst v63  }
0x18: {  	_ =	swait.ge [sflag:s10], $0x4000  }
0x19: {  	[sflag:s10] =	ssyncset.done $0x0  }
0x1a: {  	s18 =	simm.s32 $0x8400;
	[sflag:s10] =	ssyncadd.s32 $0xFFFFC000  }
0x1b: {  	[tilespmem:s18], [sflag:$0x3] =	stream.linear.gather [hbm4b:s7+s2], $0x200, $0x38;
	[tilespmem:$0x8800] =	vst v63  }
0x1c: {  	_ =	swait.ge [sflag:s10], $0x200  }
0x1d: {  	[sflag:s10] =	ssyncset.done $0x0  }
0x1e: {  	v1 =	vmov s2;
	[sflag:s10] =	ssyncadd.s32 $0xFFFFFE00  }
0x1f: {  	v1 =	vshll.u32 v1, $0x5;
	_ =	swait.ge [sflag:s13], $0x4000  }
0x20: {  	v1 =	vor.u32 v0, v1;
	[sflag:s13] =	ssyncset.done $0x0  }
0x21: {  	[sflag:s13] =	ssyncadd.s32 $0xFFFFC000  }
0x22: {  	v2 =	vor.u32 $0x1, v1;
	_ =	swait.ge [sflag:s14], $0x200  }
0x23: {  	[sflag:s14] =	ssyncset.done $0x0  }
0x24: {  	v3 =	vor.u32 $0x2, v1;
	[sflag:s14] =	ssyncadd.s32 $0xFFFFFE00  }
0x25: {  	v4 =	vld.idx.msk [tilespmem:v1+s12+$0x0], $0xffff  }
0x26: {  	v6 =	vor.u32 $0x3, v1;
	v5 =	vld.idx.msk [tilespmem:v1+s11+$0x0], $0xffff  }
0x27: {  	v7 =	vld.idx.msk [tilespmem:v2+s11+$0x0], $0xffff  }
0x28: {  	v8 =	vor.u32 $0x4, v1;
	v2 =	vld.idx.msk [tilespmem:v2+s12+$0x0], $0xffff  }
0x29: {  	v9 =	vld.idx.msk [tilespmem:v3+s11+$0x0], $0xffff  }
0x2a: {  	v10 =	vor.u32 $0x5, v1;
	v3 =	vld.idx.msk [tilespmem:v3+s12+$0x0], $0xffff  }
0x2b: {  	v11 =	vld.idx.msk [tilespmem:v6+s11+$0x0], $0xffff;
	v4 =	vmul.f32 v4, v5  }
0x2c: {  	v5 =	vld.idx.msk [tilespmem:v6+s12+$0x0], $0xffff;
	v6 =	vor.u32 $0x6, v1  }
0x2d: {  	v12 =	vld.idx.msk [tilespmem:v8+s11+$0x0], $0xffff;
	v2 =	vmul.f32 v2, v7;
	v4 =	vadd.f32 $0.0e+00, v4  }
0x2e: {  	v25 =	vor.u32 $0x7, v1;
	v7 =	vld.idx.msk [tilespmem:v8+s12+$0x0], $0xffff  }
0x2f: {  	v13 =	vld.idx.msk [tilespmem:v10+s11+$0x0], $0xffff;
	v3 =	vmul.f32 v3, v9;
	v2 =	vadd.f32 v2, v4  }
0x30: {  	v26 =	vor.u32 $0x8, v1;
	v4 =	vld.idx.msk [tilespmem:v10+s12+$0x0], $0xffff  }
0x31: {  	v27 =	vld.idx.msk [tilespmem:v6+s11+$0x0], $0xffff;
	v2 =	vadd.f32 v3, v2;
	v3 =	vmul.f32 v5, v11  }
0x32: {  	v5 =	vld.idx.msk [tilespmem:v6+s12+$0x0], $0xffff;
	v6 =	vor.u32 $0x9, v1  }
0x33: {  	v28 =	vld.idx.msk [tilespmem:v25+s11+$0x0], $0xffff;
	v2 =	vadd.f32 v3, v2;
	v3 =	vmul.f32 v7, v12  }
0x34: {  	v29 =	vor.u32 $0xA, v1;
	v7 =	vld.idx.msk [tilespmem:v25+s12+$0x0], $0xffff  }
0x35: {  	v30 =	vld.idx.msk [tilespmem:v26+s11+$0x0], $0xffff;
	v2 =	vadd.f32 v3, v2;
	v3 =	vmul.f32 v4, v13  }
0x36: {  	v31 =	vor.u32 $0xB, v1;
	v4 =	vld.idx.msk [tilespmem:v26+s12+$0x0], $0xffff  }
0x37: {  	v32 =	vld.idx.msk [tilespmem:v6+s11+$0x0], $0xffff;
	v2 =	vadd.f32 v3, v2;
	v3 =	vmul.f32 v5, v27  }
0x38: {  	v5 =	vld.idx.msk [tilespmem:v6+s12+$0x0], $0xffff;
	v6 =	vor.u32 $0xC, v1  }
0x39: {  	v33 =	vld.idx.msk [tilespmem:v29+s11+$0x0], $0xffff;
	v2 =	vadd.f32 v3, v2;
	v3 =	vmul.f32 v7, v28  }
0x3a: {  	v34 =	vor.u32 $0xD, v1;
	v7 =	vld.idx.msk [tilespmem:v29+s12+$0x0], $0xffff  }
0x3b: {  	v35 =	vld.idx.msk [tilespmem:v31+s11+$0x0], $0xffff;
	v2 =	vadd.f32 v3, v2;
	v3 =	vmul.f32 v4, v30  }
0x3c: {  	v36 =	vor.u32 $0xE, v1;
	v4 =	vld.idx.msk [tilespmem:v31+s12+$0x0], $0xffff  }
0x3d: {  	v37 =	vld.idx.msk [tilespmem:v6+s11+$0x0], $0xffff;
	v2 =	vadd.f32 v3, v2;
	v3 =	vmul.f32 v5, v32  }
0x3e: {  	v5 =	vld.idx.msk [tilespmem:v6+s12+$0x0], $0xffff;
	v6 =	vor.u32 $0xF, v1  }
0x3f: {  	v38 =	vld.idx.msk [tilespmem:v34+s11+$0x0], $0xffff;
	v2 =	vadd.f32 v3, v2;
	v3 =	vmul.f32 v7, v33  }
0x40: {  	v39 =	vor.u32 $0x10, v1;
	v7 =	vld.idx.msk [tilespmem:v34+s12+$0x0], $0xffff  }
0x41: {  	v40 =	vld.idx.msk [tilespmem:v36+s11+$0x0], $0xffff;
	v2 =	vadd.f32 v3, v2;
	v3 =	vmul.f32 v4, v35  }
0x42: {  	v41 =	vor.u32 $0x11, v1;
	v4 =	vld.idx.msk [tilespmem:v36+s12+$0x0], $0xffff  }
0x43: {  	v42 =	vld.idx.msk [tilespmem:v6+s11+$0x0], $0xffff;
	v2 =	vadd.f32 v3, v2;
	v3 =	vmul.f32 v5, v37  }
0x44: {  	v5 =	vld.idx.msk [tilespmem:v6+s12+$0x0], $0xffff;
	v6 =	vor.u32 $0x12, v1  }
0x45: {  	v43 =	vld.idx.msk [tilespmem:v39+s11+$0x0], $0xffff;
	v2 =	vadd.f32 v3, v2;
	v3 =	vmul.f32 v7, v38  }
0x46: {  	v44 =	vor.u32 $0x13, v1;
	v7 =	vld.idx.msk [tilespmem:v39+s12+$0x0], $0xffff  }
0x47: {  	v45 =	vld.idx.msk [tilespmem:v41+s11+$0x0], $0xffff;
	v2 =	vadd.f32 v3, v2;
	v3 =	vmul.f32 v4, v40  }
0x48: {  	v46 =	vor.u32 $0x14, v1;
	v4 =	vld.idx.msk [tilespmem:v41+s12+$0x0], $0xffff  }
0x49: {  	v47 =	vld.idx.msk [tilespmem:v6+s11+$0x0], $0xffff;
	v2 =	vadd.f32 v3, v2;
	v3 =	vmul.f32 v5, v42  }
0x4a: {  	v5 =	vld.idx.msk [tilespmem:v6+s12+$0x0], $0xffff;
	v6 =	vor.u32 $0x15, v1  }
0x4b: {  	v48 =	vld.idx.msk [tilespmem:v44+s11+$0x0], $0xffff;
	v2 =	vadd.f32 v3, v2;
	v3 =	vmul.f32 v7, v43  }
0x4c: {  	v49 =	vor.u32 $0x16, v1;
	v7 =	vld.idx.msk [tilespmem:v44+s12+$0x0], $0xffff  }
0x4d: {  	v50 =	vld.idx.msk [tilespmem:v46+s11+$0x0], $0xffff;
	v2 =	vadd.f32 v3, v2;
	v3 =	vmul.f32 v4, v45  }
0x4e: {  	v51 =	vor.u32 $0x17, v1;
	v4 =	vld.idx.msk [tilespmem:v46+s12+$0x0], $0xffff  }
0x4f: {  	v52 =	vld.idx.msk [tilespmem:v6+s11+$0x0], $0xffff;
	v2 =	vadd.f32 v3, v2;
	v3 =	vmul.f32 v5, v47  }
0x50: {  	v5 =	vld.idx.msk [tilespmem:v6+s12+$0x0], $0xffff;
	v6 =	vor.u32 $0x18, v1  }
0x51: {  	v53 =	vld.idx.msk [tilespmem:v49+s11+$0x0], $0xffff;
	v2 =	vadd.f32 v3, v2;
	v3 =	vmul.f32 v7, v48  }
0x52: {  	v54 =	vor.u32 $0x19, v1;
	v7 =	vld.idx.msk [tilespmem:v49+s12+$0x0], $0xffff  }
0x53: {  	v55 =	vld.idx.msk [tilespmem:v51+s11+$0x0], $0xffff;
	v2 =	vadd.f32 v3, v2;
	v3 =	vmul.f32 v4, v50  }
0x54: {  	v56 =	vor.u32 $0x1A, v1;
	v4 =	vld.idx.msk [tilespmem:v51+s12+$0x0], $0xffff  }
0x55: {  	v57 =	vld.idx.msk [tilespmem:v6+s11+$0x0], $0xffff;
	v2 =	vadd.f32 v3, v2;
	v3 =	vmul.f32 v5, v52  }
0x56: {  	v5 =	vld.idx.msk [tilespmem:v6+s12+$0x0], $0xffff;
	v6 =	vor.u32 $0x1B, v1  }
0x57: {  	v58 =	vld.idx.msk [tilespmem:v54+s11+$0x0], $0xffff;
	v2 =	vadd.f32 v3, v2;
	v3 =	vmul.f32 v7, v53  }
0x58: {  	v59 =	vor.u32 $0x1C, v1;
	v7 =	vld.idx.msk [tilespmem:v54+s12+$0x0], $0xffff  }
0x59: {  	v60 =	vld.idx.msk [tilespmem:v56+s11+$0x0], $0xffff;
	v2 =	vadd.f32 v3, v2;
	v3 =	vmul.f32 v4, v55  }
0x5a: {  	v61 =	vor.u32 $0x1D, v1;
	v4 =	vld.idx.msk [tilespmem:v56+s12+$0x0], $0xffff  }
0x5b: {  	v62 =	vld.idx.msk [tilespmem:v6+s11+$0x0], $0xffff;
	v2 =	vadd.f32 v3, v2;
	v3 =	vmul.f32 v5, v57  }
0x5c: {  	v5 =	vld.idx.msk [tilespmem:v6+s12+$0x0], $0xffff;
	v6 =	vor.u32 $0x1E, v1  }
0x5d: {  	v63 =	vld.idx.msk [tilespmem:v59+s11+$0x0], $0xffff;
	v2 =	vadd.f32 v3, v2;
	v3 =	vmul.f32 v7, v58  }
0x5e: {  	v1 =	vor.u32 $0x1F, v1;
	v7 =	vld.idx.msk [tilespmem:v59+s12+$0x0], $0xffff  }
0x5f: {  	v15 =	vld.idx.msk [tilespmem:v61+s11+$0x0], $0xffff;
	v2 =	vadd.f32 v3, v2;
	v3 =	vmul.f32 v4, v60  }
0x60: {  	v4 =	vld.idx.msk [tilespmem:v61+s12+$0x0], $0xffff  }
0x61: {  	v16 =	vld.idx.msk [tilespmem:v6+s11+$0x0], $0xffff;
	v2 =	vadd.f32 v3, v2;
	v3 =	vmul.f32 v5, v62  }
0x62: {  	v5 =	vld.idx.msk [tilespmem:v6+s12+$0x0], $0xffff  }
0x63: {  	v6 =	vld.idx.msk [tilespmem:v1+s11+$0x0], $0xffff;
	v2 =	vadd.f32 v3, v2;
	v3 =	vmul.f32 v7, v63  }
0x64: {  	v1 =	vld.idx.msk [tilespmem:v1+s12+$0x0], $0xffff  }
0x65: {  	v2 =	vadd.f32 v3, v2;
	v3 =	vmul.f32 v4, v15;
	_ =	sdelay $0x1  }
0x66: {  	v2 =	vadd.f32 v3, v2;
	v3 =	vmul.f32 v5, v16  }
0x67: {  	v4 =	vld [tilespmem:s18+$0x0]  }
0x68: {  	v1 =	vmul.f32 v1, v6;
	v2 =	vadd.f32 v3, v2  }
0x69: {  	s31 =	simm.s32 $0x10;
	v3 =	vld [tilespmem:s17+$0x0]  }
0x6a: {  	v5 =	vmov s31;
	v2 =	vadd.f32 v1, v2  }
0x6b: {  	v1 =	vshll.u32 v5, $0x5  }
0x6c: {  	v1 =	vor.u32 v0, v1;
	v2 =	vadd.f32 v2, v4;
	_ =	sdelay $0x1  }
0x6d: {  	v4 =	vor.u32 $0x1, v1;
	v2 =	vadd.f32 v2, v3;
	_ =	sdelay $0x1  }
0x6e: {  	v3 =	vor.u32 $0x2, v1;
	[tilespmem:s15+$0x0] =	vst v2  }
0x6f: {  	v2 =	vld.idx.msk [tilespmem:v1+s12+$0x0], $0xffff  }
0x70: {  	v6 =	vor.u32 $0x3, v1;
	v5 =	vld.idx.msk [tilespmem:v1+s11+$0x0], $0xffff  }
0x71: {  	v7 =	vld.idx.msk [tilespmem:v4+s11+$0x0], $0xffff  }
0x72: {  	v17 =	vor.u32 $0x4, v1;
	v4 =	vld.idx.msk [tilespmem:v4+s12+$0x0], $0xffff  }
0x73: {  	v18 =	vld.idx.msk [tilespmem:v3+s11+$0x0], $0xffff  }
0x74: {  	v19 =	vor.u32 $0x5, v1;
	v3 =	vld.idx.msk [tilespmem:v3+s12+$0x0], $0xffff  }
0x75: {  	v20 =	vld.idx.msk [tilespmem:v6+s11+$0x0], $0xffff;
	v2 =	vmul.f32 v2, v5  }
0x76: {  	v5 =	vld.idx.msk [tilespmem:v6+s12+$0x0], $0xffff;
	v6 =	vor.u32 $0x6, v1  }
0x77: {  	v21 =	vld.idx.msk [tilespmem:v17+s11+$0x0], $0xffff;
	v4 =	vmul.f32 v4, v7;
	v2 =	vadd.f32 $0.0e+00, v2  }
0x78: {  	v22 =	vor.u32 $0x7, v1;
	v7 =	vld.idx.msk [tilespmem:v17+s12+$0x0], $0xffff  }
0x79: {  	v23 =	vld.idx.msk [tilespmem:v19+s11+$0x0], $0xffff;
	v3 =	vmul.f32 v3, v18;
	v2 =	vadd.f32 v4, v2  }
0x7a: {  	v24 =	vor.u32 $0x8, v1;
	v4 =	vld.idx.msk [tilespmem:v19+s12+$0x0], $0xffff  }
0x7b: {  	v25 =	vld.idx.msk [tilespmem:v6+s11+$0x0], $0xffff;
	v2 =	vadd.f32 v3, v2;
	v3 =	vmul.f32 v5, v20  }
0x7c: {  	v5 =	vld.idx.msk [tilespmem:v6+s12+$0x0], $0xffff;
	v6 =	vor.u32 $0x9, v1  }
0x7d: {  	v26 =	vld.idx.msk [tilespmem:v22+s11+$0x0], $0xffff;
	v2 =	vadd.f32 v3, v2;
	v3 =	vmul.f32 v7, v21  }
0x7e: {  	v27 =	vor.u32 $0xA, v1;
	v7 =	vld.idx.msk [tilespmem:v22+s12+$0x0], $0xffff  }
0x7f: {  	v28 =	vld.idx.msk [tilespmem:v24+s11+$0x0], $0xffff;
	v2 =	vadd.f32 v3, v2;
	v3 =	vmul.f32 v4, v23  }
0x80: {  	v29 =	vor.u32 $0xB, v1;
	v4 =	vld.idx.msk [tilespmem:v24+s12+$0x0], $0xffff  }
0x81: {  	v30 =	vld.idx.msk [tilespmem:v6+s11+$0x0], $0xffff;
	v2 =	vadd.f32 v3, v2;
	v3 =	vmul.f32 v5, v25  }
0x82: {  	v5 =	vld.idx.msk [tilespmem:v6+s12+$0x0], $0xffff;
	v6 =	vor.u32 $0xC, v1  }
0x83: {  	v31 =	vld.idx.msk [tilespmem:v27+s11+$0x0], $0xffff;
	v2 =	vadd.f32 v3, v2;
	v3 =	vmul.f32 v7, v26  }
0x84: {  	v32 =	vor.u32 $0xD, v1;
	v7 =	vld.idx.msk [tilespmem:v27+s12+$0x0], $0xffff  }
0x85: {  	v33 =	vld.idx.msk [tilespmem:v29+s11+$0x0], $0xffff;
	v2 =	vadd.f32 v3, v2;
	v3 =	vmul.f32 v4, v28  }
0x86: {  	v34 =	vor.u32 $0xE, v1;
	v4 =	vld.idx.msk [tilespmem:v29+s12+$0x0], $0xffff  }
0x87: {  	v35 =	vld.idx.msk [tilespmem:v6+s11+$0x0], $0xffff;
	v2 =	vadd.f32 v3, v2;
	v3 =	vmul.f32 v5, v30  }
0x88: {  	v5 =	vld.idx.msk [tilespmem:v6+s12+$0x0], $0xffff;
	v6 =	vor.u32 $0xF, v1  }
0x89: {  	v36 =	vld.idx.msk [tilespmem:v32+s11+$0x0], $0xffff;
	v2 =	vadd.f32 v3, v2;
	v3 =	vmul.f32 v7, v31  }
0x8a: {  	v37 =	vor.u32 $0x10, v1;
	v7 =	vld.idx.msk [tilespmem:v32+s12+$0x0], $0xffff  }
0x8b: {  	v38 =	vld.idx.msk [tilespmem:v34+s11+$0x0], $0xffff;
	v2 =	vadd.f32 v3, v2;
	v3 =	vmul.f32 v4, v33  }
0x8c: {  	v39 =	vor.u32 $0x11, v1;
	v4 =	vld.idx.msk [tilespmem:v34+s12+$0x0], $0xffff  }
0x8d: {  	v40 =	vld.idx.msk [tilespmem:v6+s11+$0x0], $0xffff;
	v2 =	vadd.f32 v3, v2;
	v3 =	vmul.f32 v5, v35  }
0x8e: {  	v5 =	vld.idx.msk [tilespmem:v6+s12+$0x0], $0xffff;
	v6 =	vor.u32 $0x12, v1  }
0x8f: {  	v41 =	vld.idx.msk [tilespmem:v37+s11+$0x0], $0xffff;
	v2 =	vadd.f32 v3, v2;
	v3 =	vmul.f32 v7, v36  }
0x90: {  	v42 =	vor.u32 $0x13, v1;
	v7 =	vld.idx.msk [tilespmem:v37+s12+$0x0], $0xffff  }
0x91: {  	v43 =	vld.idx.msk [tilespmem:v39+s11+$0x0], $0xffff;
	v2 =	vadd.f32 v3, v2;
	v3 =	vmul.f32 v4, v38  }
0x92: {  	v44 =	vor.u32 $0x14, v1;
	v4 =	vld.idx.msk [tilespmem:v39+s12+$0x0], $0xffff  }
0x93: {  	v45 =	vld.idx.msk [tilespmem:v6+s11+$0x0], $0xffff;
	v2 =	vadd.f32 v3, v2;
	v3 =	vmul.f32 v5, v40  }
0x94: {  	v5 =	vld.idx.msk [tilespmem:v6+s12+$0x0], $0xffff;
	v6 =	vor.u32 $0x15, v1  }
0x95: {  	v46 =	vld.idx.msk [tilespmem:v42+s11+$0x0], $0xffff;
	v2 =	vadd.f32 v3, v2;
	v3 =	vmul.f32 v7, v41  }
0x96: {  	v47 =	vor.u32 $0x16, v1;
	v7 =	vld.idx.msk [tilespmem:v42+s12+$0x0], $0xffff  }
0x97: {  	v48 =	vld.idx.msk [tilespmem:v44+s11+$0x0], $0xffff;
	v2 =	vadd.f32 v3, v2;
	v3 =	vmul.f32 v4, v43  }
0x98: {  	v49 =	vor.u32 $0x17, v1;
	v4 =	vld.idx.msk [tilespmem:v44+s12+$0x0], $0xffff  }
0x99: {  	v50 =	vld.idx.msk [tilespmem:v6+s11+$0x0], $0xffff;
	v2 =	vadd.f32 v3, v2;
	v3 =	vmul.f32 v5, v45  }
0x9a: {  	v5 =	vld.idx.msk [tilespmem:v6+s12+$0x0], $0xffff;
	v6 =	vor.u32 $0x18, v1  }
0x9b: {  	v51 =	vld.idx.msk [tilespmem:v47+s11+$0x0], $0xffff;
	v2 =	vadd.f32 v3, v2;
	v3 =	vmul.f32 v7, v46  }
0x9c: {  	v52 =	vor.u32 $0x19, v1;
	v7 =	vld.idx.msk [tilespmem:v47+s12+$0x0], $0xffff  }
0x9d: {  	v53 =	vld.idx.msk [tilespmem:v49+s11+$0x0], $0xffff;
	v2 =	vadd.f32 v3, v2;
	v3 =	vmul.f32 v4, v48  }
0x9e: {  	v54 =	vor.u32 $0x1A, v1;
	v4 =	vld.idx.msk [tilespmem:v49+s12+$0x0], $0xffff  }
0x9f: {  	v55 =	vld.idx.msk [tilespmem:v6+s11+$0x0], $0xffff;
	v2 =	vadd.f32 v3, v2;
	v3 =	vmul.f32 v5, v50  }
0xa0: {  	v5 =	vld.idx.msk [tilespmem:v6+s12+$0x0], $0xffff;
	v6 =	vor.u32 $0x1B, v1  }
0xa1: {  	v56 =	vld.idx.msk [tilespmem:v52+s11+$0x0], $0xffff;
	v2 =	vadd.f32 v3, v2;
	v3 =	vmul.f32 v7, v51  }
0xa2: {  	v57 =	vor.u32 $0x1C, v1;
	v7 =	vld.idx.msk [tilespmem:v52+s12+$0x0], $0xffff  }
0xa3: {  	v58 =	vld.idx.msk [tilespmem:v54+s11+$0x0], $0xffff;
	v2 =	vadd.f32 v3, v2;
	v3 =	vmul.f32 v4, v53  }
0xa4: {  	v59 =	vor.u32 $0x1D, v1;
	v4 =	vld.idx.msk [tilespmem:v54+s12+$0x0], $0xffff  }
0xa5: {  	v60 =	vld.idx.msk [tilespmem:v6+s11+$0x0], $0xffff;
	v2 =	vadd.f32 v3, v2;
	v3 =	vmul.f32 v5, v55  }
0xa6: {  	v5 =	vld.idx.msk [tilespmem:v6+s12+$0x0], $0xffff;
	v6 =	vor.u32 $0x1E, v1  }
0xa7: {  	v61 =	vld.idx.msk [tilespmem:v57+s11+$0x0], $0xffff;
	v2 =	vadd.f32 v3, v2;
	v3 =	vmul.f32 v7, v56  }
0xa8: {  	v7 =	vld.idx.msk [tilespmem:v57+s12+$0x0], $0xffff  }
0xa9: {  	v62 =	vld.idx.msk [tilespmem:v59+s11+$0x0], $0xffff;
	v1 =	vor.u32 $0x1F, v1;
	v2 =	vadd.f32 v3, v2;
	v3 =	vmul.f32 v4, v58  }
0xaa: {  	v4 =	vld.idx.msk [tilespmem:v59+s12+$0x0], $0xffff  }
0xab: {  	v63 =	vld.idx.msk [tilespmem:v6+s11+$0x0], $0xffff;
	v2 =	vadd.f32 v3, v2;
	v3 =	vmul.f32 v5, v60  }
0xac: {  	v5 =	vld.idx.msk [tilespmem:v6+s12+$0x0], $0xffff  }
0xad: {  	v2 =	vadd.f32 v3, v2;
	v3 =	vmul.f32 v7, v61  }
0xae: {  	v6 =	vld.idx.msk [tilespmem:v1+s11+$0x0], $0xffff  }
0xaf: {  	v1 =	vld.idx.msk [tilespmem:v1+s12+$0x0], $0xffff;
	v2 =	vadd.f32 v3, v2;
	v3 =	vmul.f32 v4, v62;
	_ =	sdelay $0x1  }
0xb0: {  	v2 =	vadd.f32 v3, v2;
	v3 =	vmul.f32 v5, v63  }
0xb1: {  	s17 =	simm.s32 $0x8410  }
0xb2: {  	v4 =	vadd.f32 v3, v2;
	v2 =	vld [tilespmem:s17+$0x0]  }
0xb3: {  	s18 =	simm.s32 $0x8210;
	v1 =	vmul.f32 v1, v6  }
0xb4: {  	s19 =	simm.s32 $0x20;
	v3 =	vld [tilespmem:s18+$0x0]  }
0xb5: {  	v5 =	vmov s19;
	v4 =	vadd.f32 v1, v4  }
0xb6: {  	s20 =	simm.s32 $0x30;
	s19 =	simm.s32 $0x8600;
	v1 =	vshll.u32 v5, $0x5  }
.LBB2_2:
0xb7: {  	p0 =	sne.s32 s20, $0x1F0;
	v1 =	vor.u32 v0, v1;
	v2 =	vadd.f32 v4, v2;
	_ =	sdelay $0x1  }
0xb8: {  	v4 =	vor.u32 $0x1, v1;
	v2 =	vadd.f32 v2, v3  }
0xb9: {  	s19 =	sadd.s32 $0x10, s19  }
0xba: {  	v3 =	vor.u32 $0x2, v1;
	[tilespmem:s19+$0x0] =	vst v2  }
0xbb: {  	v2 =	vld.idx.msk [tilespmem:v1+s12+$0x0], $0xffff  }
0xbc: {  	v6 =	vor.u32 $0x3, v1;
	v5 =	vld.idx.msk [tilespmem:v1+s11+$0x0], $0xffff  }
0xbd: {  	v7 =	vld.idx.msk [tilespmem:v4+s11+$0x0], $0xffff  }
0xbe: {  	v8 =	vor.u32 $0x4, v1;
	v4 =	vld.idx.msk [tilespmem:v4+s12+$0x0], $0xffff  }
0xbf: {  	v9 =	vld.idx.msk [tilespmem:v3+s11+$0x0], $0xffff  }
0xc0: {  	v10 =	vor.u32 $0x5, v1;
	v3 =	vld.idx.msk [tilespmem:v3+s12+$0x0], $0xffff  }
0xc1: {  	v11 =	vld.idx.msk [tilespmem:v6+s11+$0x0], $0xffff  }
0xc2: {  	v2 =	vmul.f32 v2, v5;
	v5 =	vld.idx.msk [tilespmem:v6+s12+$0x0], $0xffff;
	v6 =	vor.u32 $0x6, v1  }
0xc3: {  	v12 =	vld.idx.msk [tilespmem:v8+s11+$0x0], $0xffff  }
0xc4: {  	v2 =	vadd.f32 $0.0e+00, v2;
	v4 =	vmul.f32 v4, v7;
	v7 =	vld.idx.msk [tilespmem:v8+s12+$0x0], $0xffff;
	v8 =	vor.u32 $0x7, v1  }
0xc5: {  	v13 =	vld.idx.msk [tilespmem:v10+s11+$0x0], $0xffff  }
0xc6: {  	v2 =	vadd.f32 v4, v2;
	v3 =	vmul.f32 v3, v9;
	v9 =	vor.u32 $0x8, v1;
	v4 =	vld.idx.msk [tilespmem:v10+s12+$0x0], $0xffff  }
0xc7: {  	v10 =	vld.idx.msk [tilespmem:v6+s11+$0x0], $0xffff  }
0xc8: {  	v2 =	vadd.f32 v3, v2;
	v3 =	vmul.f32 v5, v11;
	v5 =	vld.idx.msk [tilespmem:v6+s12+$0x0], $0xffff;
	v6 =	vor.u32 $0x9, v1  }
0xc9: {  	v11 =	vld.idx.msk [tilespmem:v8+s11+$0x0], $0xffff  }
0xca: {  	v2 =	vadd.f32 v3, v2;
	v3 =	vmul.f32 v7, v12;
	v7 =	vld.idx.msk [tilespmem:v8+s12+$0x0], $0xffff;
	v8 =	vor.u32 $0xA, v1  }
0xcb: {  	v12 =	vld.idx.msk [tilespmem:v9+s11+$0x0], $0xffff  }
0xcc: {  	v2 =	vadd.f32 v3, v2;
	v3 =	vmul.f32 v4, v13;
	v4 =	vld.idx.msk [tilespmem:v9+s12+$0x0], $0xffff;
	v9 =	vor.u32 $0xB, v1  }
0xcd: {  	v13 =	vld.idx.msk [tilespmem:v6+s11+$0x0], $0xffff  }
0xce: {  	v2 =	vadd.f32 v3, v2;
	v3 =	vmul.f32 v5, v10;
	v5 =	vld.idx.msk [tilespmem:v6+s12+$0x0], $0xffff;
	v6 =	vor.u32 $0xC, v1  }
0xcf: {  	v10 =	vld.idx.msk [tilespmem:v8+s11+$0x0], $0xffff  }
0xd0: {  	v2 =	vadd.f32 v3, v2;
	v3 =	vmul.f32 v7, v11;
	v7 =	vld.idx.msk [tilespmem:v8+s12+$0x0], $0xffff;
	v8 =	vor.u32 $0xD, v1  }
0xd1: {  	v11 =	vld.idx.msk [tilespmem:v9+s11+$0x0], $0xffff  }
0xd2: {  	v2 =	vadd.f32 v3, v2;
	v3 =	vmul.f32 v4, v12;
	v4 =	vld.idx.msk [tilespmem:v9+s12+$0x0], $0xffff;
	v9 =	vor.u32 $0xE, v1  }
0xd3: {  	v12 =	vld.idx.msk [tilespmem:v6+s11+$0x0], $0xffff  }
0xd4: {  	v2 =	vadd.f32 v3, v2;
	v3 =	vmul.f32 v5, v13;
	v5 =	vld.idx.msk [tilespmem:v6+s12+$0x0], $0xffff;
	v6 =	vor.u32 $0xF, v1  }
0xd5: {  	v13 =	vld.idx.msk [tilespmem:v8+s11+$0x0], $0xffff  }
0xd6: {  	v2 =	vadd.f32 v3, v2;
	v3 =	vmul.f32 v7, v10;
	v7 =	vld.idx.msk [tilespmem:v8+s12+$0x0], $0xffff;
	v8 =	vor.u32 $0x10, v1  }
0xd7: {  	v10 =	vld.idx.msk [tilespmem:v9+s11+$0x0], $0xffff  }
0xd8: {  	v2 =	vadd.f32 v3, v2;
	v3 =	vmul.f32 v4, v11;
	v4 =	vld.idx.msk [tilespmem:v9+s12+$0x0], $0xffff;
	v9 =	vor.u32 $0x11, v1  }
0xd9: {  	v11 =	vld.idx.msk [tilespmem:v6+s11+$0x0], $0xffff  }
0xda: {  	v2 =	vadd.f32 v3, v2;
	v3 =	vmul.f32 v5, v12;
	v5 =	vld.idx.msk [tilespmem:v6+s12+$0x0], $0xffff;
	v6 =	vor.u32 $0x12, v1  }
0xdb: {  	v12 =	vld.idx.msk [tilespmem:v8+s11+$0x0], $0xffff  }
0xdc: {  	v2 =	vadd.f32 v3, v2;
	v3 =	vmul.f32 v7, v13;
	v7 =	vld.idx.msk [tilespmem:v8+s12+$0x0], $0xffff;
	v8 =	vor.u32 $0x13, v1  }
0xdd: {  	v13 =	vld.idx.msk [tilespmem:v9+s11+$0x0], $0xffff  }
0xde: {  	v2 =	vadd.f32 v3, v2;
	v3 =	vmul.f32 v4, v10;
	v4 =	vld.idx.msk [tilespmem:v9+s12+$0x0], $0xffff;
	v9 =	vor.u32 $0x14, v1  }
0xdf: {  	v10 =	vld.idx.msk [tilespmem:v6+s11+$0x0], $0xffff  }
0xe0: {  	v2 =	vadd.f32 v3, v2;
	v3 =	vmul.f32 v5, v11;
	v5 =	vld.idx.msk [tilespmem:v6+s12+$0x0], $0xffff;
	v6 =	vor.u32 $0x15, v1  }
0xe1: {  	v11 =	vld.idx.msk [tilespmem:v8+s11+$0x0], $0xffff  }
0xe2: {  	v2 =	vadd.f32 v3, v2;
	v3 =	vmul.f32 v7, v12;
	v7 =	vld.idx.msk [tilespmem:v8+s12+$0x0], $0xffff;
	v8 =	vor.u32 $0x16, v1  }
0xe3: {  	v12 =	vld.idx.msk [tilespmem:v9+s11+$0x0], $0xffff  }
0xe4: {  	v2 =	vadd.f32 v3, v2;
	v3 =	vmul.f32 v4, v13;
	v4 =	vld.idx.msk [tilespmem:v9+s12+$0x0], $0xffff;
	v9 =	vor.u32 $0x17, v1  }
0xe5: {  	v13 =	vld.idx.msk [tilespmem:v6+s11+$0x0], $0xffff  }
0xe6: {  	v2 =	vadd.f32 v3, v2;
	v3 =	vmul.f32 v5, v10;
	v5 =	vld.idx.msk [tilespmem:v6+s12+$0x0], $0xffff;
	v6 =	vor.u32 $0x18, v1  }
0xe7: {  	v10 =	vld.idx.msk [tilespmem:v8+s11+$0x0], $0xffff  }
0xe8: {  	v2 =	vadd.f32 v3, v2;
	v3 =	vmul.f32 v7, v11;
	v7 =	vld.idx.msk [tilespmem:v8+s12+$0x0], $0xffff;
	v8 =	vor.u32 $0x19, v1  }
0xe9: {  	v11 =	vld.idx.msk [tilespmem:v9+s11+$0x0], $0xffff  }
0xea: {  	v2 =	vadd.f32 v3, v2;
	v3 =	vmul.f32 v4, v12;
	v4 =	vld.idx.msk [tilespmem:v9+s12+$0x0], $0xffff;
	v9 =	vor.u32 $0x1A, v1  }
0xeb: {  	v12 =	vld.idx.msk [tilespmem:v6+s11+$0x0], $0xffff  }
0xec: {  	v2 =	vadd.f32 v3, v2;
	v3 =	vmul.f32 v5, v13;
	v5 =	vld.idx.msk [tilespmem:v6+s12+$0x0], $0xffff;
	v6 =	vor.u32 $0x1B, v1  }
0xed: {  	v13 =	vld.idx.msk [tilespmem:v8+s11+$0x0], $0xffff  }
0xee: {  	v2 =	vadd.f32 v3, v2;
	v3 =	vmul.f32 v7, v10;
	v7 =	vld.idx.msk [tilespmem:v8+s12+$0x0], $0xffff;
	v8 =	vor.u32 $0x1C, v1  }
0xef: {  	v10 =	vld.idx.msk [tilespmem:v9+s11+$0x0], $0xffff  }
0xf0: {  	v2 =	vadd.f32 v3, v2;
	v3 =	vmul.f32 v4, v11;
	v4 =	vld.idx.msk [tilespmem:v9+s12+$0x0], $0xffff;
	v9 =	vor.u32 $0x1D, v1  }
0xf1: {  	v11 =	vld.idx.msk [tilespmem:v6+s11+$0x0], $0xffff  }
0xf2: {  	v2 =	vadd.f32 v3, v2;
	v3 =	vmul.f32 v5, v12;
	v5 =	vld.idx.msk [tilespmem:v6+s12+$0x0], $0xffff;
	v6 =	vor.u32 $0x1E, v1  }
0xf3: {  	v12 =	vld.idx.msk [tilespmem:v8+s11+$0x0], $0xffff  }
0xf4: {  	v1 =	vor.u32 $0x1F, v1;
	v2 =	vadd.f32 v3, v2;
	v3 =	vmul.f32 v7, v13;
	v7 =	vld.idx.msk [tilespmem:v8+s12+$0x0], $0xffff  }
0xf5: {  	v8 =	vld.idx.msk [tilespmem:v9+s11+$0x0], $0xffff  }
0xf6: {  	v2 =	vadd.f32 v3, v2;
	v3 =	vmul.f32 v4, v10;
	v4 =	vld.idx.msk [tilespmem:v9+s12+$0x0], $0xffff  }
0xf7: {  	v9 =	vld.idx.msk [tilespmem:v6+s11+$0x0], $0xffff  }
0xf8: {  	v2 =	vadd.f32 v3, v2;
	v3 =	vmul.f32 v5, v11;
	v5 =	vld.idx.msk [tilespmem:v6+s12+$0x0], $0xffff  }
0xf9: {  	v6 =	vld.idx.msk [tilespmem:v1+s11+$0x0], $0xffff  }
0xfa: {  	v2 =	vadd.f32 v3, v2;
	v3 =	vmul.f32 v7, v12;
	v1 =	vld.idx.msk [tilespmem:v1+s12+$0x0], $0xffff;
	_ =	sdelay $0x1  }
0xfb: {  	v2 =	vadd.f32 v3, v2;
	v3 =	vmul.f32 v4, v8;
	_ =	sdelay $0x1  }
0xfc: {  	s17 =	sadd.s32 $0x10, s17;
	v3 =	vadd.f32 v3, v2;
	v4 =	vmul.f32 v5, v9  }
.Ltmp0:
0xfd: {  	v2 =	vld [tilespmem:s17+$0x0];
	(pc) =	sbr.rel @p0 .LBB2_2-.Ltmp0, $4  }
0xfe: {  	s18 =	sadd.s32 $0x10, s18;
	v4 =	vadd.f32 v4, v3;
	v1 =	vmul.f32 v1, v6  }
0xff: {  	v3 =	vld [tilespmem:s18+$0x0]  }
0x100: {  	v5 =	vmov s20;
	v4 =	vadd.f32 v1, v4  }
0x101: {  	s20 =	sadd.s32 $0x10, s20;
	v1 =	vshll.u32 v5, $0x5  }
0x102: {  	v1 =	vor.u32 v0, v1;
	v2 =	vadd.f32 v4, v2;
	_ =	sdelay $0x1  }
0x103: {  	v31 =	vor.u32 $0x1, v1;
	v2 =	vadd.f32 v2, v3  }
0x104: {  	s19 =	sadd.s32 $0x10, s19  }
0x105: {  	v3 =	vor.u32 $0x2, v1;
	[tilespmem:s19+$0x0] =	vst v2  }
0x106: {  	v2 =	vld.idx.msk [tilespmem:v1+s12+$0x0], $0xffff  }
0x107: {  	v6 =	vor.u32 $0x3, v1;
	v5 =	vld.idx.msk [tilespmem:v1+s11+$0x0], $0xffff  }
0x108: {  	v7 =	vld.idx.msk [tilespmem:v31+s11+$0x0], $0xffff  }
0x109: {  	v8 =	vor.u32 $0x4, v1;
	v4 =	vld.idx.msk [tilespmem:v31+s12+$0x0], $0xffff  }
0x10a: {  	v9 =	vld.idx.msk [tilespmem:v3+s11+$0x0], $0xffff  }
0x10b: {  	v10 =	vor.u32 $0x5, v1;
	v3 =	vld.idx.msk [tilespmem:v3+s12+$0x0], $0xffff  }
0x10c: {  	v11 =	vld.idx.msk [tilespmem:v6+s11+$0x0], $0xffff;
	v2 =	vmul.f32 v2, v5  }
0x10d: {  	v33 =	vor.u32 $0x6, v1;
	v32 =	vld.idx.msk [tilespmem:v6+s12+$0x0], $0xffff  }
0x10e: {  	v12 =	vld.idx.msk [tilespmem:v8+s11+$0x0], $0xffff;
	v4 =	vmul.f32 v4, v7;
	v2 =	vadd.f32 $0.0e+00, v2  }
0x10f: {  	v35 =	vor.u32 $0x7, v1;
	v34 =	vld.idx.msk [tilespmem:v8+s12+$0x0], $0xffff  }
0x110: {  	v13 =	vld.idx.msk [tilespmem:v10+s11+$0x0], $0xffff;
	v3 =	vmul.f32 v3, v9;
	v2 =	vadd.f32 v4, v2  }
0x111: {  	v37 =	vor.u32 $0x8, v1;
	v36 =	vld.idx.msk [tilespmem:v10+s12+$0x0], $0xffff  }
0x112: {  	v38 =	vld.idx.msk [tilespmem:v33+s11+$0x0], $0xffff;
	v2 =	vadd.f32 v3, v2;
	v3 =	vmul.f32 v32, v11  }
0x113: {  	v40 =	vor.u32 $0x9, v1;
	v39 =	vld.idx.msk [tilespmem:v33+s12+$0x0], $0xffff  }
0x114: {  	v41 =	vld.idx.msk [tilespmem:v35+s11+$0x0], $0xffff;
	v2 =	vadd.f32 v3, v2;
	v3 =	vmul.f32 v34, v12  }
0x115: {  	v43 =	vor.u32 $0xA, v1;
	v42 =	vld.idx.msk [tilespmem:v35+s12+$0x0], $0xffff  }
0x116: {  	v44 =	vld.idx.msk [tilespmem:v37+s11+$0x0], $0xffff;
	v2 =	vadd.f32 v3, v2;
	v3 =	vmul.f32 v36, v13  }
0x117: {  	v46 =	vor.u32 $0xB, v1;
	v45 =	vld.idx.msk [tilespmem:v37+s12+$0x0], $0xffff  }
0x118: {  	v47 =	vld.idx.msk [tilespmem:v40+s11+$0x0], $0xffff;
	v2 =	vadd.f32 v3, v2;
	v3 =	vmul.f32 v39, v38  }
0x119: {  	v49 =	vor.u32 $0xC, v1;
	v48 =	vld.idx.msk [tilespmem:v40+s12+$0x0], $0xffff  }
0x11a: {  	v50 =	vld.idx.msk [tilespmem:v43+s11+$0x0], $0xffff;
	v2 =	vadd.f32 v3, v2;
	v3 =	vmul.f32 v42, v41  }
0x11b: {  	v52 =	vor.u32 $0xD, v1;
	v51 =	vld.idx.msk [tilespmem:v43+s12+$0x0], $0xffff  }
0x11c: {  	v53 =	vld.idx.msk [tilespmem:v46+s11+$0x0], $0xffff;
	v2 =	vadd.f32 v3, v2;
	v3 =	vmul.f32 v45, v44  }
0x11d: {  	v55 =	vor.u32 $0xE, v1;
	v54 =	vld.idx.msk [tilespmem:v46+s12+$0x0], $0xffff  }
0x11e: {  	v56 =	vld.idx.msk [tilespmem:v49+s11+$0x0], $0xffff;
	v2 =	vadd.f32 v3, v2;
	v3 =	vmul.f32 v48, v47  }
0x11f: {  	v58 =	vor.u32 $0xF, v1;
	v57 =	vld.idx.msk [tilespmem:v49+s12+$0x0], $0xffff  }
0x120: {  	v59 =	vld.idx.msk [tilespmem:v52+s11+$0x0], $0xffff;
	v2 =	vadd.f32 v3, v2;
	v3 =	vmul.f32 v51, v50  }
0x121: {  	v61 =	vor.u32 $0x10, v1;
	v60 =	vld.idx.msk [tilespmem:v52+s12+$0x0], $0xffff  }
0x122: {  	v62 =	vld.idx.msk [tilespmem:v55+s11+$0x0], $0xffff;
	v2 =	vadd.f32 v3, v2;
	v3 =	vmul.f32 v54, v53  }
0x123: {  	v16 =	vor.u32 $0x11, v1;
	v63 =	vld.idx.msk [tilespmem:v55+s12+$0x0], $0xffff  }
0x124: {  	v17 =	vld.idx.msk [tilespmem:v58+s11+$0x0], $0xffff;
	v2 =	vadd.f32 v3, v2;
	v3 =	vmul.f32 v57, v56  }
0x125: {  	v19 =	vor.u32 $0x12, v1;
	v18 =	vld.idx.msk [tilespmem:v58+s12+$0x0], $0xffff  }
0x126: {  	v20 =	vld.idx.msk [tilespmem:v61+s11+$0x0], $0xffff;
	v2 =	vadd.f32 v3, v2;
	v3 =	vmul.f32 v60, v59  }
0x127: {  	v22 =	vor.u32 $0x13, v1;
	v21 =	vld.idx.msk [tilespmem:v61+s12+$0x0], $0xffff  }
0x128: {  	v23 =	vld.idx.msk [tilespmem:v16+s11+$0x0], $0xffff;
	v2 =	vadd.f32 v3, v2;
	v3 =	vmul.f32 v63, v62  }
0x129: {  	v25 =	vor.u32 $0x14, v1;
	v24 =	vld.idx.msk [tilespmem:v16+s12+$0x0], $0xffff  }
0x12a: {  	v26 =	vld.idx.msk [tilespmem:v19+s11+$0x0], $0xffff;
	v2 =	vadd.f32 v3, v2;
	v3 =	vmul.f32 v18, v17  }
0x12b: {  	v28 =	vor.u32 $0x15, v1;
	v27 =	vld.idx.msk [tilespmem:v19+s12+$0x0], $0xffff  }
0x12c: {  	v29 =	vld.idx.msk [tilespmem:v22+s11+$0x0], $0xffff;
	v2 =	vadd.f32 v3, v2;
	v3 =	vmul.f32 v21, v20  }
0x12d: {  	v30 =	vld.idx.msk [tilespmem:v22+s12+$0x0], $0xffff;
	v31 =	vor.u32 $0x16, v1  }
0x12e: {  	v33 =	vld.idx.msk [tilespmem:v25+s12+$0x0], $0xffff;
	v2 =	vadd.f32 v3, v2;
	v3 =	vmul.f32 v24, v23  }
0x12f: {  	v32 =	vld.idx.msk [tilespmem:v25+s11+$0x0], $0xffff;
	v34 =	vor.u32 $0x17, v1  }
0x130: {  	v35 =	vld.idx.msk [tilespmem:v28+s11+$0x0], $0xffff;
	v2 =	vadd.f32 v3, v2;
	v3 =	vmul.f32 v27, v26  }
0x131: {  	v37 =	vor.u32 $0x18, v1;
	v36 =	vld.idx.msk [tilespmem:v28+s12+$0x0], $0xffff  }
0x132: {  	v38 =	vld.idx.msk [tilespmem:v31+s11+$0x0], $0xffff;
	v2 =	vadd.f32 v3, v2;
	v3 =	vmul.f32 v30, v29  }
0x133: {  	v40 =	vor.u32 $0x19, v1;
	v39 =	vld.idx.msk [tilespmem:v31+s12+$0x0], $0xffff  }
0x134: {  	v41 =	vld.idx.msk [tilespmem:v34+s11+$0x0], $0xffff;
	v2 =	vadd.f32 v3, v2;
	v3 =	vmul.f32 v33, v32  }
0x135: {  	v43 =	vor.u32 $0x1A, v1;
	v42 =	vld.idx.msk [tilespmem:v34+s12+$0x0], $0xffff  }
0x136: {  	v44 =	vld.idx.msk [tilespmem:v37+s11+$0x0], $0xffff;
	v2 =	vadd.f32 v3, v2;
	v3 =	vmul.f32 v36, v35  }
0x137: {  	v46 =	vor.u32 $0x1B, v1;
	v45 =	vld.idx.msk [tilespmem:v37+s12+$0x0], $0xffff  }
0x138: {  	v47 =	vld.idx.msk [tilespmem:v40+s11+$0x0], $0xffff;
	v2 =	vadd.f32 v3, v2;
	v3 =	vmul.f32 v39, v38  }
0x139: {  	v49 =	vor.u32 $0x1C, v1;
	v48 =	vld.idx.msk [tilespmem:v40+s12+$0x0], $0xffff  }
0x13a: {  	v50 =	vld.idx.msk [tilespmem:v43+s11+$0x0], $0xffff;
	v2 =	vadd.f32 v3, v2;
	v3 =	vmul.f32 v42, v41  }
0x13b: {  	v52 =	vor.u32 $0x1D, v1;
	v51 =	vld.idx.msk [tilespmem:v43+s12+$0x0], $0xffff  }
0x13c: {  	v53 =	vld.idx.msk [tilespmem:v46+s11+$0x0], $0xffff;
	v2 =	vadd.f32 v3, v2;
	v3 =	vmul.f32 v45, v44  }
0x13d: {  	v55 =	vor.u32 $0x1E, v1;
	v54 =	vld.idx.msk [tilespmem:v46+s12+$0x0], $0xffff  }
0x13e: {  	v56 =	vld.idx.msk [tilespmem:v49+s11+$0x0], $0xffff;
	v2 =	vadd.f32 v3, v2;
	v3 =	vmul.f32 v48, v47  }
0x13f: {  	v1 =	vor.u32 $0x1F, v1;
	v57 =	vld.idx.msk [tilespmem:v49+s12+$0x0], $0xffff  }
0x140: {  	v58 =	vld.idx.msk [tilespmem:v52+s11+$0x0], $0xffff;
	v2 =	vadd.f32 v3, v2;
	v3 =	vmul.f32 v51, v50  }
0x141: {  	v59 =	vld.idx.msk [tilespmem:v52+s12+$0x0], $0xffff  }
0x142: {  	v61 =	vld.idx.msk [tilespmem:v55+s12+$0x0], $0xffff;
	v2 =	vadd.f32 v3, v2;
	v3 =	vmul.f32 v54, v53  }
0x143: {  	v60 =	vld.idx.msk [tilespmem:v55+s11+$0x0], $0xffff  }
0x144: {  	v62 =	vld.idx.msk [tilespmem:v1+s11+$0x0], $0xffff;
	v2 =	vadd.f32 v3, v2;
	v3 =	vmul.f32 v57, v56  }
0x145: {  	v1 =	vld.idx.msk [tilespmem:v1+s12+$0x0], $0xffff  }
0x146: {  	v2 =	vadd.f32 v3, v2;
	v3 =	vmul.f32 v59, v58;
	_ =	sdelay $0x1  }
0x147: {  	s17 =	sadd.s32 $0x10, s17;
	v2 =	vadd.f32 v3, v2;
	v3 =	vmul.f32 v61, v60  }
0x148: {  	v63 =	vld [tilespmem:s17+$0x0]  }
0x149: {  	s30 =	sadd.s32 $0x10, s18;
	v1 =	vmul.f32 v1, v62;
	v2 =	vadd.f32 v3, v2  }
0x14a: {  	v3 =	vld [tilespmem:s30+$0x0]  }
0x14b: {  	v1 =	vadd.f32 v1, v2;
	_ =	sdelay $0x1  }
0x14c: {  	v1 =	vadd.f32 v1, v63;
	_ =	sdelay $0x1  }
0x14d: {  	s16 =	sadd.s32 $0x1, s16;
	v1 =	vadd.f32 v1, v3  }
0x14e: {  	s31 =	sadd.s32 $0x10, s19;
	p0 =	sne.s32 s16, s9  }
.Ltmp1:
0x14f: {  	[tilespmem:s31+$0x0] =	vst v1;
	(pc) =	sbr.rel @p0 .LBB2_1-.Ltmp1, $4  }
0x150: {  	[hbm4b:s8+s2] =	stream.linear.scatter [tilespmem:s15], [sflag:$0x3], $0x200, $0x38;
	[tilespmem:$0x8800] =	vst v63  }
0x151: {  	_ =	swait.ge [sflag:s10], $0x200  }
0x152: {  	[sflag:s10] =	ssyncset.done $0x0  }
0x153: {  	[sflag:s10] =	ssyncadd.s32 $0xFFFFFE00  }
0x154: {  	_ =	sfence.sel $0x180000  }
0x155: {  	[bflag:$0x0] =	sbarrier.arrive $0xFFFF  }
0x156: {  	p0 =	sne.s32 s1, $0x0;
	_ =	strace $0x9000004A  }
0x157: {  	s0 =	sadd.s32 @!p0 $0x100000, s0;
	[bflag:$0x2] =	sbarrier.arrive $0xFFFF  }
0x158: {  	[sflag:s0] =	ssyncadd.tile.s32 @!p0 $0x1;
	_ =	shalt  }
.Lfunc_end2:
_tile_overlayer_lowered:
.L_overlay_start_2:
0x159: {  	(tag) =	ssettag $0x2  }
0x15a: {  	s0 =	rddreg [dreg:$0x0];
	s2 =	stileid.u32  }
0x15b: {  	s1 =	rddreg [dreg:$0x1];
	p0 =	sne.s32 s2, $0x0  }
0x15c: {  	s3 =	rddreg [dreg:$0x2];
	[bflag:$0x3] =	sbarrier.arrive $0xFFFF;
	s2 =	simm.s32 @!p0 $0x1C03  }
0x15d: {  	[timem:s3], [sflag:s2] =	dma.local @!p0 [hbm:s0], s1  }
0x15e: {  	s0 =	simm.s32 @!p0 $0x3  }
0x15f: {  	_ =	swait.ge @!p0 [sflag:s0], s1  }
0x160: {  	s1 =	ssub.s32 @!p0 $0x0, s1;
	[sflag:s0] =	ssyncset.done @!p0 $0x0  }
0x161: {  	[sflag:s0] =	ssyncadd.s32 @!p0 s1  }
0x162: {  	[bflag:$0x3] =	sbarrier.arrive $0xFFFF  }
0x163: {  	_ =	shalt  }

</sc_bundles>
